<compile_context>
chip_gen: v7x
topology: tpu7x:2x2x1
jax: 0.10.2.dev20260603
libtpu: 0.0.44.dev20260713+nightly
codegen_flags: <defaults>
</compile_context>

<pallas_src>
import functools

import jax
import jax.numpy as jnp
import numpy as np
from jax import lax
from jax.experimental import pallas as pl
from jax.experimental.pallas import tpu as pltpu
from jax.experimental.pallas import tpu_sc as plsc

_B = 128
_CH = 8
_NSUB = 16
_NCORE = 2



@functools.partial(jax.jit,
                   static_argnames=("w", "nb", "n_acc", "with_deg", "n_off",
                                    "tc_tiling"))
def _segsum_sc(table, srcs, dsts, zeros_w, zeros16, ones16, *, w, nb, n_acc,
               with_deg, n_off=0, tc_tiling=False):
    npb = nb // _NSUB
    nch = npb // _CH
    assert npb % (2 * _CH) == 0, (npb, _CH)
    rows_per = n_acc // _NSUB

    out_type = [jax.ShapeDtypeStruct((_NCORE, n_acc, w), jnp.float32)]
    scratch = [
        pltpu.VMEM((_CH, _B), jnp.int32),
        pltpu.VMEM((_CH, _B), jnp.int32),
        pltpu.VMEM((_CH, _B), jnp.int32),
        pltpu.VMEM((_CH, _B), jnp.int32),
        pltpu.VMEM((_B, w), jnp.float32),
        pltpu.VMEM((_B, w), jnp.float32),
        pltpu.VMEM_SHARED((n_acc, w), jnp.float32),
        pltpu.SemaphoreType.DMA,
        pltpu.SemaphoreType.DMA,
        pltpu.SemaphoreType.DMA,
        pltpu.SemaphoreType.DMA,
    ]
    if with_deg:
        out_type.append(jax.ShapeDtypeStruct((_NCORE, n_acc, 16), jnp.float32))
        scratch += [
            pltpu.VMEM((_B, 16), jnp.float32),
            pltpu.VMEM_SHARED((n_acc, 16), jnp.float32),
        ]

    mesh = plsc.VectorSubcoreMesh(core_axis_name="c", subcore_axis_name="s",
                                  num_cores=_NCORE, num_subcores=_NSUB)

    def body(table_ref, srcs_ref, dsts_ref, zw_ref, z16_ref, o16_ref, *rest):
        if with_deg:
            (out, degout, is0, is1, id0, id1, rows0, rows1, acc,
             semr0, semr1, semi0, semi1, ones_v, deg_acc) = rest
        else:
            (out, is0, is1, id0, id1, rows0, rows1, acc,
             semr0, semr1, semi0, semi1) = rest
        isb = (is0, is1)
        idb = (id0, id1)
        rows = (rows0, rows1)
        semr = (semr0, semr1)
        semi = (semi0, semi1)
        c = lax.axis_index("c")
        s = lax.axis_index("s")
        r0 = s * rows_per
        if n_off:
            b0 = s * npb
            src_off = jnp.broadcast_to((c * n_off).astype(jnp.int32), (16,))
        else:
            b0 = c * nb + s * npb

        def idx_copy(cc, p):
            pltpu.async_copy(srcs_ref.at[pl.ds(b0 + cc * _CH, _CH)],
                             isb[p], semi[p])
            return pltpu.async_copy(dsts_ref.at[pl.ds(b0 + cc * _CH, _CH)],
                                    idb[p], semi[p])

        def idx_wait(p):
            pltpu.make_async_copy(srcs_ref.at[pl.ds(b0, _CH)], isb[p],
                                  semi[p]).wait()
            pltpu.make_async_copy(dsts_ref.at[pl.ds(b0, _CH)], idb[p],
                                  semi[p]).wait()
            if n_off:
                for r in range(_CH):
                    for q in range(_B // 16):
                        sl = (r, pl.ds(q * 16, 16))
                        isb[p][sl] = isb[p][sl] + src_off

        def gath(p, k, kb):
            return pltpu.async_copy(table_ref.at[isb[p].at[k]], rows[kb],
                                    semr[kb])

        def scat(p, k, kb):
            pltpu.sync_copy(rows[kb], acc.at[idb[p].at[k]], add=True)
            if with_deg:
                pltpu.sync_copy(ones_v, deg_acc.at[idb[p].at[k]], add=True)

        pltpu.sync_copy(zw_ref.at[pl.ds(r0, rows_per)],
                        acc.at[pl.ds(r0, rows_per)])
        if with_deg:
            pltpu.sync_copy(z16_ref.at[pl.ds(r0, rows_per)],
                            deg_acc.at[pl.ds(r0, rows_per)])
            pltpu.sync_copy(o16_ref, ones_v)
        idx_copy(0, 0)
        idx_wait(0)
        idx_copy(1, 1)
        plsc.subcore_barrier()
        gath(0, 0, 0)

        def chunk_body(cc, p):
            for k in range(_CH):
                kb = k % 2
                if k < _CH - 1:
                    gath(p, k + 1, 1 - kb)
                else:
                    @pl.when(cc < nch - 1)
                    def _():
                        idx_wait(1 - p)
                        gath(1 - p, 0, 1 - kb)
                pltpu.make_async_copy(table_ref.at[isb[p].at[k]], rows[kb],
                                      semr[kb]).wait()
                scat(p, k, kb)

            @pl.when(cc < nch - 2)
            def _():
                idx_copy(cc + 2, p)

        def pair(j, carry):
            chunk_body(2 * j, 0)
            chunk_body(2 * j + 1, 1)
            return carry

        lax.fori_loop(0, nch // 2, pair, 0)
        plsc.subcore_barrier()
        pltpu.sync_copy(acc.at[pl.ds(r0, rows_per)],
                        out.at[c, pl.ds(r0, rows_per)])
        if with_deg:
            pltpu.sync_copy(deg_acc.at[pl.ds(r0, rows_per)],
                            degout.at[c, pl.ds(r0, rows_per)])

    kern = pl.kernel(
        body, out_type=out_type, mesh=mesh, scratch_types=scratch,
        compiler_params=pltpu.CompilerParams(use_tc_tiling_on_sc=tc_tiling))
    return kern(table, srcs, dsts, zeros_w, zeros16, ones16)



_R = 2000


def _dinv_from(degp_blk):
    deg = degp_blk[0, :, 0:1] + degp_blk[1, :, 0:1]
    return 1.0 / jnp.maximum(deg, 1.0)


def _tc_self(h, w_self, b, n):
    blocked = h.ndim == 3
    d_in = w_self.shape[0]
    d_out = w_self.shape[1]

    def body(h_ref, ws_ref, b_ref, out_ref):
        if blocked:
            hh = jnp.concatenate([h_ref[0], h_ref[1]], axis=1)
        else:
            hh = h_ref[...]
        out_ref[...] = (jnp.dot(hh, ws_ref[...],
                                preferred_element_type=jnp.float32)
                        + b_ref[...])

    grid = (n // _R,)
    h_spec = (pl.BlockSpec((2, _R, d_in // 2), lambda i: (0, i, 0)) if blocked
              else pl.BlockSpec((_R, d_in), lambda i: (i, 0)))
    return pl.pallas_call(
        body,
        grid=grid,
        in_specs=[
            h_spec,
            pl.BlockSpec((d_in, d_out), lambda i: (0, 0)),
            pl.BlockSpec((1, d_out), lambda i: (0, 0)),
        ],
        out_specs=pl.BlockSpec((_R, d_out), lambda i: (i, 0)),
        out_shape=jax.ShapeDtypeStruct((n, d_out), jnp.float32),
    )(h, w_self, b.reshape(1, -1))


def _tc_neigh0(sx, aggp, degp, w_neigh, n):
    d_in = w_neigh.shape[0]
    d_h = w_neigh.shape[1]

    def body(sx_ref, aggp_ref, degp_ref, wn_ref, out_ref):
        dinv = _dinv_from(degp_ref)
        hn = (aggp_ref[0] + aggp_ref[1]) * dinv
        h = sx_ref[...] + jnp.dot(hn, wn_ref[...],
                                  preferred_element_type=jnp.float32)
        h = jnp.maximum(h, 0.0)
        out_ref[0, :, :] = h[:, : d_h // 2]
        out_ref[1, :, :] = h[:, d_h // 2:]

    grid = (n // _R,)
    return pl.pallas_call(
        body,
        grid=grid,
        in_specs=[
            pl.BlockSpec((_R, d_h), lambda i: (i, 0)),
            pl.BlockSpec((2, _R, d_in), lambda i: (0, i, 0)),
            pl.BlockSpec((2, _R, 16), lambda i: (0, i, 0)),
            pl.BlockSpec((d_in, d_h), lambda i: (0, 0)),
        ],
        out_specs=pl.BlockSpec((2, _R, d_h // 2), lambda i: (0, i, 0)),
        out_shape=jax.ShapeDtypeStruct((2, n, d_h // 2), jnp.float32),
    )(sx, aggp, degp, w_neigh)


def _tc_neigh1(s1, agg1, degp, w_neigh, w_self2, w_neigh2, b2, n):
    d_h = w_neigh.shape[0]
    d_o = w_self2.shape[1]

    def body(s1_ref, agg1_ref, degp_ref, wn_ref, ws2_ref, wn2_ref, b2_ref,
             s2_ref, p2_ref):
        dinv = _dinv_from(degp_ref)
        agg = jnp.concatenate([agg1_ref[0], agg1_ref[1]], axis=1)
        hn = agg * dinv
        h2 = s1_ref[...] + jnp.dot(hn, wn_ref[...],
                                   preferred_element_type=jnp.float32)
        h2 = jnp.maximum(h2, 0.0)
        s2_ref[...] = (jnp.dot(h2, ws2_ref[...],
                               preferred_element_type=jnp.float32)
                       + b2_ref[...])
        p2_ref[...] = jnp.dot(h2, wn2_ref[...],
                              preferred_element_type=jnp.float32)

    grid = (n // _R,)
    return pl.pallas_call(
        body,
        grid=grid,
        in_specs=[
            pl.BlockSpec((_R, d_h), lambda i: (i, 0)),
            pl.BlockSpec((2, _R, d_h // 2), lambda i: (0, i, 0)),
            pl.BlockSpec((2, _R, 16), lambda i: (0, i, 0)),
            pl.BlockSpec((d_h, d_h), lambda i: (0, 0)),
            pl.BlockSpec((d_h, d_o), lambda i: (0, 0)),
            pl.BlockSpec((d_h, d_o), lambda i: (0, 0)),
            pl.BlockSpec((1, d_o), lambda i: (0, 0)),
        ],
        out_specs=[
            pl.BlockSpec((_R, d_o), lambda i: (i, 0)),
            pl.BlockSpec((_R, d_o), lambda i: (i, 0)),
        ],
        out_shape=[
            jax.ShapeDtypeStruct((n, d_o), jnp.float32),
            jax.ShapeDtypeStruct((n, d_o), jnp.float32),
        ],
    )(s1, agg1, degp, w_neigh, w_self2, w_neigh2, b2.reshape(1, -1))


def _tc_layer2(s2, aggp, degp, n, d_out):
    d_p = s2.shape[1]

    def body(s2_ref, aggp_ref, degp_ref, out_ref):
        dinv = _dinv_from(degp_ref)
        agg = (aggp_ref[0] + aggp_ref[1]) * dinv
        out_ref[...] = (s2_ref[...] + agg)[:, :d_out]

    grid = (n // _R,)
    return pl.pallas_call(
        body,
        grid=grid,
        in_specs=[
            pl.BlockSpec((_R, d_p), lambda i: (i, 0)),
            pl.BlockSpec((2, _R, d_p), lambda i: (0, i, 0)),
            pl.BlockSpec((2, _R, 16), lambda i: (0, i, 0)),
        ],
        out_specs=pl.BlockSpec((_R, d_out), lambda i: (i, 0)),
        out_shape=jax.ShapeDtypeStruct((n, d_out), jnp.float32),
    )(s2, aggp, degp)



def _ceil_to(x, m):
    return -(-x // m) * m


def kernel(x, edge_index, W_self0, W_neigh0, b0, W_self1, W_neigh1, b1,
           W_self2, W_neigh2, b2):
    n, d_in = x.shape
    e = edge_index.shape[1]
    d_h = W_self1.shape[0]
    d_out = W_self2.shape[1]
    d_op = _ceil_to(d_out, 16)
    n_acc = _ceil_to(n + 16, _NSUB * 8)

    src = edge_index[0]
    dst = edge_index[1]

    nb1 = _ceil_to(-(-e // _B), 2 * 2 * _CH * _NSUB)
    nb0 = nb1 // 2
    pad1 = nb1 * _B - e
    j1 = np.arange(pad1, dtype=np.int32)
    src_p = jnp.concatenate([src, jnp.asarray(j1 % n)]).reshape(nb1, _B)
    dst_p = jnp.concatenate([dst, jnp.asarray(n + (j1 % 16))]).reshape(nb1, _B)

    zeros128 = jnp.zeros((n_acc, d_h // 2), jnp.float32)
    zeros48 = jnp.zeros((n_acc, d_op), jnp.float32)
    zeros16 = jnp.zeros((n_acc, 16), jnp.float32)
    ones16 = jnp.ones((_B, 16), jnp.float32)

    agg0p, degp = _segsum_sc(x, src_p, dst_p, zeros128, zeros16, ones16,
                             w=d_in, nb=nb0, n_acc=n_acc, with_deg=True)
    sx = _tc_self(x, W_self0, b0, n)
    h1b = _tc_neigh0(sx, agg0p, degp, W_neigh0, n)

    table1 = h1b.reshape(2 * n, d_h // 2)
    (agg1,) = _segsum_sc(table1, src_p, dst_p, zeros128, zeros16, ones16,
                         w=d_h // 2, nb=nb1, n_acc=n_acc, with_deg=False,
                         n_off=n)
    s1 = _tc_self(h1b, W_self1, b1, n)

    ws2p = jnp.pad(W_self2, ((0, 0), (0, d_op - d_out)))
    wn2p = jnp.pad(W_neigh2, ((0, 0), (0, d_op - d_out)))
    b2p = jnp.pad(b2, (0, d_op - d_out))
    s2, p2 = _tc_neigh1(s1, agg1, degp, W_neigh1, ws2p, wn2p, b2p, n)

    (aggp2,) = _segsum_sc(p2, src_p, dst_p, zeros48, zeros16, ones16,
                          w=d_op, nb=nb0, n_acc=n_acc, with_deg=False)
    return _tc_layer2(s2, aggp2, degp, n, d_out)

# --- scband reference (transcript-rebuilt; emitter-appended) ---
"""Pipeline reference for scband-npcsage-26388279067151 (READ-ONLY COPY).

The authoritative reference and input builder live on the scoring server;
editing this copy changes nothing except your own understanding.
"""

import jax, jax.numpy as jnp
import numpy as np

N = 10000
E = 320000
D_IN = 128
D_H = 256
D_OUT = 47


def setup_inputs(seed: int = 0) -> dict:
    key = jax.random.key(seed)
    ks = jax.random.split(key, 12)
    x = jax.random.normal(ks[0], (N, D_IN), dtype=jnp.float32)
    edge_index = jax.random.randint(ks[1], (2, E), 0, N, dtype=jnp.int32)
    def lin(k, fin, fout):
        return jax.random.normal(k, (fin, fout), dtype=jnp.float32) * (1.0 / np.sqrt(fin))
    W_self0 = lin(ks[2], D_IN, D_H)
    W_neigh0 = lin(ks[3], D_IN, D_H)
    b0 = jnp.zeros((D_H,), dtype=jnp.float32)
    W_self1 = lin(ks[4], D_H, D_H)
    W_neigh1 = lin(ks[5], D_H, D_H)
    b1 = jnp.zeros((D_H,), dtype=jnp.float32)
    W_self2 = lin(ks[6], D_H, D_OUT)
    W_neigh2 = lin(ks[7], D_H, D_OUT)
    b2 = jnp.zeros((D_OUT,), dtype=jnp.float32)
    return {"x": x, "edge_index": edge_index,
            "W_self0": W_self0, "W_neigh0": W_neigh0, "b0": b0,
            "W_self1": W_self1, "W_neigh1": W_neigh1, "b1": b1,
            "W_self2": W_self2, "W_neigh2": W_neigh2, "b2": b2}


def _sage_conv_mean(h, edge_index, W_self, W_neigh, b):
    # DGL SAGEConv with 'mean' aggregator: out = fc_self(h_dst) + fc_neigh(mean_{src->dst} h_src) + bias
    src = edge_index[0]
    dst = edge_index[1]
    msgs = jnp.take(h, src, axis=0)                     # gather (SparseCore)
    agg = jax.ops.segment_sum(msgs, dst, num_segments=h.shape[0])   # scatter-add
    deg = jax.ops.segment_sum(jnp.ones((edge_index.shape[1],), h.dtype), dst, num_segments=h.shape[0])
    h_neigh = agg / jnp.maximum(deg, 1.0)[:, None]
    return h @ W_self + h_neigh @ W_neigh + b


def reference(x, edge_index, W_self0, W_neigh0, b0, W_self1, W_neigh1, b1, W_self2, W_neigh2, b2):
    # 3-layer NPCSAGE forward (eval mode: dropout = identity; NPFeatureShuffle /
    # inverse_idx treated as identity permutation on a single-process full graph).
    h = _sage_conv_mean(x, edge_index, W_self0, W_neigh0, b0)
    h = jax.nn.relu(h)
    h = _sage_conv_mean(h, edge_index, W_self1, W_neigh1, b1)
    h = jax.nn.relu(h)
    h = _sage_conv_mean(h, edge_index, W_self2, W_neigh2, b2)
    return h

if __name__ == "__main__":
    import jax
    _d = setup_inputs()
    print(jax.jit(kernel)(*tuple(_d.values())))

</pallas_src>

<mosaic_0001>
#map = affine_map<(d0, d1) -> (0, 0)>
#map1 = affine_map<(d0, d1) -> (0, 0, 0)>
module attributes {stable_mosaic.version = 14 : i64} {
  func.func @body(%arg0: i32, %arg1: i32, %arg2: memref<10000x128xf32, #tpu.memory_space<hbm>>, %arg3: memref<2560x128xi32, #tpu.memory_space<hbm>>, %arg4: memref<2560x128xi32, #tpu.memory_space<hbm>>, %arg5: memref<10112x128xf32, #tpu.memory_space<hbm>>, %arg6: memref<10112x16xf32, #tpu.memory_space<hbm>>, %arg7: memref<128x16xf32, #tpu.memory_space<hbm>>, %arg8: memref<2x10112x128xf32, #tpu.memory_space<hbm>>, %arg9: memref<2x10112x16xf32, #tpu.memory_space<hbm>>, %arg10: memref<8x128xi32, #tpu.memory_space<vmem>>, %arg11: memref<8x128xi32, #tpu.memory_space<vmem>>, %arg12: memref<8x128xi32, #tpu.memory_space<vmem>>, %arg13: memref<8x128xi32, #tpu.memory_space<vmem>>, %arg14: memref<128x128xf32, #tpu.memory_space<vmem>>, %arg15: memref<128x128xf32, #tpu.memory_space<vmem>>, %arg16: memref<10112x128xf32, #tpu.memory_space<vmem_shared>>, %arg17: memref<!tpu.dma_semaphore, #tpu.memory_space<semaphore_mem>>, %arg18: memref<!tpu.dma_semaphore, #tpu.memory_space<semaphore_mem>>, %arg19: memref<!tpu.dma_semaphore, #tpu.memory_space<semaphore_mem>>, %arg20: memref<!tpu.dma_semaphore, #tpu.memory_space<semaphore_mem>>, %arg21: memref<128x16xf32, #tpu.memory_space<vmem>>, %arg22: memref<10112x16xf32, #tpu.memory_space<vmem_shared>>) attributes {dimension_semantics = [#tpu.dimension_semantics<core_parallel>, #tpu.dimension_semantics<subcore_parallel>], iteration_bounds = array<i64: 2, 16>, scalar_prefetch = 0 : i64, scratch_operands = 13 : i64, tpu.core_type = #tpu.core_type<sc_vector_subcore>, window_params = [{transform_indices = #map}, {transform_indices = #map}, {transform_indices = #map}, {transform_indices = #map}, {transform_indices = #map}, {transform_indices = #map}, {transform_indices = #map1}, {transform_indices = #map1}]} {
    %mul3A = arith.constant 632 : i32
    %mul3A_0 = arith.muli %arg1, %mul3A : i32
    %mul3A_1 = arith.constant 1280 : i32
    %mul3A_2 = arith.muli %arg0, %mul3A_1 : i32
    %mul3A_3 = arith.constant 80 : i32
    %mul3A_4 = arith.muli %arg1, %mul3A_3 : i32
    %add3A = arith.addi %mul3A_2, %mul3A_4 : i32
    "tpu.region"() ({
      %run_scoped3A = tpu.sem_alloc : memref<!tpu.dma_semaphore, #tpu.memory_space<semaphore_mem>>
      %dma_start3A_48 = arith.constant 0 : i32
      %dma_start3A_49 = tpu.memref_slice %arg16[%mul3A_0, %dma_start3A_48] : memref<10112x128xf32, #tpu.memory_space<vmem_shared>> -> memref<632x128xf32, #tpu.memory_space<vmem_shared>>
      %dma_start3A_50 = arith.constant 0 : i32
      %dma_start3A_51 = tpu.memref_slice %arg5[%mul3A_0, %dma_start3A_50] : memref<10112x128xf32, #tpu.memory_space<hbm>> -> memref<632x128xf32, #tpu.memory_space<hbm>>
      tpu.enqueue_dma source(%dma_start3A_51 : memref<632x128xf32, #tpu.memory_space<hbm>>) target(%dma_start3A_49 : memref<632x128xf32, #tpu.memory_space<vmem_shared>>) target_semaphore(%run_scoped3A : memref<!tpu.dma_semaphore, #tpu.memory_space<semaphore_mem>>)
      %dma_wait3A_52 = arith.constant 0 : i32
      %dma_wait3A_53 = tpu.memref_slice %arg16[%mul3A_0, %dma_wait3A_52] : memref<10112x128xf32, #tpu.memory_space<vmem_shared>> -> memref<632x128xf32, #tpu.memory_space<vmem_shared>>
      %dma_wait3A_54 = arith.constant 0 : i32
      %dma_wait3A_55 = tpu.memref_slice %arg5[%mul3A_0, %dma_wait3A_54] : memref<10112x128xf32, #tpu.memory_space<hbm>> -> memref<632x128xf32, #tpu.memory_space<hbm>>
      tpu.wait_dma2 semaphore(%run_scoped3A : memref<!tpu.dma_semaphore, #tpu.memory_space<semaphore_mem>>) src(%dma_wait3A_55 : memref<632x128xf32, #tpu.memory_space<hbm>>) dst(%dma_wait3A_53 : memref<632x128xf32, #tpu.memory_space<vmem_shared>>)
      tpu.yield
    }) : () -> ()
    "tpu.region"() ({
      %run_scoped3A = tpu.sem_alloc : memref<!tpu.dma_semaphore, #tpu.memory_space<semaphore_mem>>
      %dma_start3A_48 = arith.constant 0 : i32
      %dma_start3A_49 = tpu.memref_slice %arg22[%mul3A_0, %dma_start3A_48] : memref<10112x16xf32, #tpu.memory_space<vmem_shared>> -> memref<632x16xf32, #tpu.memory_space<vmem_shared>>
      %dma_start3A_50 = arith.constant 0 : i32
      %dma_start3A_51 = tpu.memref_slice %arg6[%mul3A_0, %dma_start3A_50] : memref<10112x16xf32, #tpu.memory_space<hbm>> -> memref<632x16xf32, #tpu.memory_space<hbm>>
      tpu.enqueue_dma source(%dma_start3A_51 : memref<632x16xf32, #tpu.memory_space<hbm>>) target(%dma_start3A_49 : memref<632x16xf32, #tpu.memory_space<vmem_shared>>) target_semaphore(%run_scoped3A : memref<!tpu.dma_semaphore, #tpu.memory_space<semaphore_mem>>)
      %dma_wait3A_52 = arith.constant 0 : i32
      %dma_wait3A_53 = tpu.memref_slice %arg22[%mul3A_0, %dma_wait3A_52] : memref<10112x16xf32, #tpu.memory_space<vmem_shared>> -> memref<632x16xf32, #tpu.memory_space<vmem_shared>>
      %dma_wait3A_54 = arith.constant 0 : i32
      %dma_wait3A_55 = tpu.memref_slice %arg6[%mul3A_0, %dma_wait3A_54] : memref<10112x16xf32, #tpu.memory_space<hbm>> -> memref<632x16xf32, #tpu.memory_space<hbm>>
      tpu.wait_dma2 semaphore(%run_scoped3A : memref<!tpu.dma_semaphore, #tpu.memory_space<semaphore_mem>>) src(%dma_wait3A_55 : memref<632x16xf32, #tpu.memory_space<hbm>>) dst(%dma_wait3A_53 : memref<632x16xf32, #tpu.memory_space<vmem_shared>>)
      tpu.yield
    }) : () -> ()
    "tpu.region"() ({
      %run_scoped3A = tpu.sem_alloc : memref<!tpu.dma_semaphore, #tpu.memory_space<semaphore_mem>>
      tpu.enqueue_dma source(%arg7 : memref<128x16xf32, #tpu.memory_space<hbm>>) target(%arg21 : memref<128x16xf32, #tpu.memory_space<vmem>>) target_semaphore(%run_scoped3A : memref<!tpu.dma_semaphore, #tpu.memory_space<semaphore_mem>>)
      tpu.wait_dma2 semaphore(%run_scoped3A : memref<!tpu.dma_semaphore, #tpu.memory_space<semaphore_mem>>) src(%arg7 : memref<128x16xf32, #tpu.memory_space<hbm>>) dst(%arg21 : memref<128x16xf32, #tpu.memory_space<vmem>>)
      tpu.yield
    }) : () -> ()
    %add3A_5 = arith.constant 0 : i32
    %add3A_6 = arith.addi %add3A, %add3A_5 : i32
    %dma_start3A = arith.constant 0 : i32
    %dma_start3A_7 = tpu.memref_slice %arg3[%add3A_6, %dma_start3A] : memref<2560x128xi32, #tpu.memory_space<hbm>> -> memref<8x128xi32, #tpu.memory_space<hbm>>
    %dma_start3A_8 = arith.constant 0 : i32
    %dma_start3A_9 = tpu.memref_slice %arg3[%add3A_6, %dma_start3A_8] : memref<2560x128xi32, #tpu.memory_space<hbm>> -> memref<8x128xi32, #tpu.memory_space<hbm>>
    tpu.enqueue_dma source(%dma_start3A_9 : memref<8x128xi32, #tpu.memory_space<hbm>>) target(%arg10 : memref<8x128xi32, #tpu.memory_space<vmem>>) target_semaphore(%arg19 : memref<!tpu.dma_semaphore, #tpu.memory_space<semaphore_mem>>)
    %add3A_10 = arith.constant 0 : i32
    %add3A_11 = arith.addi %add3A, %add3A_10 : i32
    %dma_start3A_12 = arith.constant 0 : i32
    %dma_start3A_13 = tpu.memref_slice %arg4[%add3A_11, %dma_start3A_12] : memref<2560x128xi32, #tpu.memory_space<hbm>> -> memref<8x128xi32, #tpu.memory_space<hbm>>
    %dma_start3A_14 = arith.constant 0 : i32
    %dma_start3A_15 = tpu.memref_slice %arg4[%add3A_11, %dma_start3A_14] : memref<2560x128xi32, #tpu.memory_space<hbm>> -> memref<8x128xi32, #tpu.memory_space<hbm>>
    tpu.enqueue_dma source(%dma_start3A_15 : memref<8x128xi32, #tpu.memory_space<hbm>>) target(%arg12 : memref<8x128xi32, #tpu.memory_space<vmem>>) target_semaphore(%arg19 : memref<!tpu.dma_semaphore, #tpu.memory_space<semaphore_mem>>)
    %dma_wait3A = arith.constant 0 : i32
    %dma_wait3A_16 = tpu.memref_slice %arg3[%add3A, %dma_wait3A] : memref<2560x128xi32, #tpu.memory_space<hbm>> -> memref<8x128xi32, #tpu.memory_space<hbm>>
    %dma_wait3A_17 = arith.constant 0 : i32
    %dma_wait3A_18 = tpu.memref_slice %arg3[%add3A, %dma_wait3A_17] : memref<2560x128xi32, #tpu.memory_space<hbm>> -> memref<8x128xi32, #tpu.memory_space<hbm>>
    tpu.wait_dma2 semaphore(%arg19 : memref<!tpu.dma_semaphore, #tpu.memory_space<semaphore_mem>>) src(%dma_wait3A_18 : memref<8x128xi32, #tpu.memory_space<hbm>>) dst(%arg10 : memref<8x128xi32, #tpu.memory_space<vmem>>)
    %dma_wait3A_19 = arith.constant 0 : i32
    %dma_wait3A_20 = tpu.memref_slice %arg4[%add3A, %dma_wait3A_19] : memref<2560x128xi32, #tpu.memory_space<hbm>> -> memref<8x128xi32, #tpu.memory_space<hbm>>
    %dma_wait3A_21 = arith.constant 0 : i32
    %dma_wait3A_22 = tpu.memref_slice %arg4[%add3A, %dma_wait3A_21] : memref<2560x128xi32, #tpu.memory_space<hbm>> -> memref<8x128xi32, #tpu.memory_space<hbm>>
    tpu.wait_dma2 semaphore(%arg19 : memref<!tpu.dma_semaphore, #tpu.memory_space<semaphore_mem>>) src(%dma_wait3A_22 : memref<8x128xi32, #tpu.memory_space<hbm>>) dst(%arg12 : memref<8x128xi32, #tpu.memory_space<vmem>>)
    %add3A_23 = arith.constant 8 : i32
    %add3A_24 = arith.addi %add3A, %add3A_23 : i32
    %dma_start3A_25 = arith.constant 0 : i32
    %dma_start3A_26 = tpu.memref_slice %arg3[%add3A_24, %dma_start3A_25] : memref<2560x128xi32, #tpu.memory_space<hbm>> -> memref<8x128xi32, #tpu.memory_space<hbm>>
    %dma_start3A_27 = arith.constant 0 : i32
    %dma_start3A_28 = tpu.memref_slice %arg3[%add3A_24, %dma_start3A_27] : memref<2560x128xi32, #tpu.memory_space<hbm>> -> memref<8x128xi32, #tpu.memory_space<hbm>>
    tpu.enqueue_dma source(%dma_start3A_28 : memref<8x128xi32, #tpu.memory_space<hbm>>) target(%arg11 : memref<8x128xi32, #tpu.memory_space<vmem>>) target_semaphore(%arg20 : memref<!tpu.dma_semaphore, #tpu.memory_space<semaphore_mem>>)
    %add3A_29 = arith.constant 8 : i32
    %add3A_30 = arith.addi %add3A, %add3A_29 : i32
    %dma_start3A_31 = arith.constant 0 : i32
    %dma_start3A_32 = tpu.memref_slice %arg4[%add3A_30, %dma_start3A_31] : memref<2560x128xi32, #tpu.memory_space<hbm>> -> memref<8x128xi32, #tpu.memory_space<hbm>>
    %dma_start3A_33 = arith.constant 0 : i32
    %dma_start3A_34 = tpu.memref_slice %arg4[%add3A_30, %dma_start3A_33] : memref<2560x128xi32, #tpu.memory_space<hbm>> -> memref<8x128xi32, #tpu.memory_space<hbm>>
    tpu.enqueue_dma source(%dma_start3A_34 : memref<8x128xi32, #tpu.memory_space<hbm>>) target(%arg13 : memref<8x128xi32, #tpu.memory_space<vmem>>) target_semaphore(%arg20 : memref<!tpu.dma_semaphore, #tpu.memory_space<semaphore_mem>>)
    %barrier3A = arith.constant 0 : index
    tpu.barrier barrier_id(%barrier3A)
    %dma_start3A_35 = arith.constant 0 : i32
    %dma_start3A_36 = arith.constant 0 : i32
    %dma_start3A_37 = tpu.memref_slice %arg10[%dma_start3A_35, %dma_start3A_36] : memref<8x128xi32, #tpu.memory_space<vmem>> -> memref<1x128xi32, #tpu.memory_space<vmem>>
    %dma_start3A_38 = tpu.memref_squeeze %dma_start3A_37 : memref<1x128xi32, #tpu.memory_space<vmem>> -> memref<128xi32, #tpu.memory_space<vmem>>
    %dma_start3A_39 = arith.constant 0 : i32
    %dma_start3A_40 = arith.constant 0 : i32
    %dma_start3A_41 = tpu.memref_slice %arg2[%dma_start3A_39, %dma_start3A_40] : memref<10000x128xf32, #tpu.memory_space<hbm>> -> memref<10000x128xf32, #tpu.memory_space<hbm>>
    tpu.enqueue_indirect_dma source(%dma_start3A_41 : memref<10000x128xf32, #tpu.memory_space<hbm>>) target(%arg14 : memref<128x128xf32, #tpu.memory_space<vmem>>) offsets(%dma_start3A_38 : memref<128xi32, #tpu.memory_space<vmem>>) semaphore(%arg17 : memref<!tpu.dma_semaphore, #tpu.memory_space<semaphore_mem>>)
    %scan3A = arith.constant 0 : i32
    %scan3A_42 = arith.constant 0 : i32
    %scan3A_43 = arith.constant 5 : i32
    %scan3A_44 = arith.addi %scan3A_42, %scan3A_43 : i32
    %scan3A_45 = arith.constant 1 : i32
    scf.for %scan3A_48 = %scan3A_42 to %scan3A_44 step %scan3A_45  : i32 {
      %mul3A_49 = arith.constant 2 : i32
      %mul3A_50 = arith.muli %mul3A_49, %scan3A_48 : i32
      %dma_start3A_51 = arith.constant 1 : i32
      %dma_start3A_52 = arith.constant 0 : i32
      %dma_start3A_53 = tpu.memref_slice %arg10[%dma_start3A_51, %dma_start3A_52] : memref<8x128xi32, #tpu.memory_space<vmem>> -> memref<1x128xi32, #tpu.memory_space<vmem>>
      %dma_start3A_54 = tpu.memref_squeeze %dma_start3A_53 : memref<1x128xi32, #tpu.memory_space<vmem>> -> memref<128xi32, #tpu.memory_space<vmem>>
      %dma_start3A_55 = arith.constant 0 : i32
      %dma_start3A_56 = arith.constant 0 : i32
      %dma_start3A_57 = tpu.memref_slice %arg2[%dma_start3A_55, %dma_start3A_56] : memref<10000x128xf32, #tpu.memory_space<hbm>> -> memref<10000x128xf32, #tpu.memory_space<hbm>>
      tpu.enqueue_indirect_dma source(%dma_start3A_57 : memref<10000x128xf32, #tpu.memory_space<hbm>>) target(%arg15 : memref<128x128xf32, #tpu.memory_space<vmem>>) offsets(%dma_start3A_54 : memref<128xi32, #tpu.memory_space<vmem>>) semaphore(%arg18 : memref<!tpu.dma_semaphore, #tpu.memory_space<semaphore_mem>>)
      %dma_wait3A_58 = arith.constant 0 : i32
      %dma_wait3A_59 = arith.constant 0 : i32
      %dma_wait3A_60 = tpu.memref_slice %arg10[%dma_wait3A_58, %dma_wait3A_59] : memref<8x128xi32, #tpu.memory_space<vmem>> -> memref<1x128xi32, #tpu.memory_space<vmem>>
      %dma_wait3A_61 = tpu.memref_squeeze %dma_wait3A_60 : memref<1x128xi32, #tpu.memory_space<vmem>> -> memref<128xi32, #tpu.memory_space<vmem>>
      %dma_wait3A_62 = arith.constant 0 : i32
      %dma_wait3A_63 = arith.constant 0 : i32
      %dma_wait3A_64 = tpu.memref_slice %arg2[%dma_wait3A_62, %dma_wait3A_63] : memref<10000x128xf32, #tpu.memory_space<hbm>> -> memref<10000x128xf32, #tpu.memory_space<hbm>>
      tpu.wait_indirect_dma semaphore(%arg17 : memref<!tpu.dma_semaphore, #tpu.memory_space<semaphore_mem>>) src(%dma_wait3A_64 : memref<10000x128xf32, #tpu.memory_space<hbm>>) dst(%arg14 : memref<128x128xf32, #tpu.memory_space<vmem>>)
      %run_scoped3A = arith.constant 0 : i32
      "tpu.region"() ({
        %run_scoped3A_313 = tpu.sem_alloc : memref<!tpu.dma_semaphore, #tpu.memory_space<semaphore_mem>>
        %dma_start3A_314 = arith.constant 0 : i32
        %dma_start3A_315 = tpu.memref_slice %arg12[%run_scoped3A, %dma_start3A_314] : memref<8x128xi32, #tpu.memory_space<vmem>> -> memref<1x128xi32, #tpu.memory_space<vmem>>
        %dma_start3A_316 = tpu.memref_squeeze %dma_start3A_315 : memref<1x128xi32, #tpu.memory_space<vmem>> -> memref<128xi32, #tpu.memory_space<vmem>>
        %dma_start3A_317 = arith.constant 0 : i32
        %dma_start3A_318 = arith.constant 0 : i32
        %dma_start3A_319 = tpu.memref_slice %arg16[%dma_start3A_317, %dma_start3A_318] : memref<10112x128xf32, #tpu.memory_space<vmem_shared>> -> memref<10112x128xf32, #tpu.memory_space<vmem_shared>>
        tpu.enqueue_indirect_dma source(%arg14 : memref<128x128xf32, #tpu.memory_space<vmem>>) target(%dma_start3A_319 : memref<10112x128xf32, #tpu.memory_space<vmem_shared>>) offsets(%dma_start3A_316 : memref<128xi32, #tpu.memory_space<vmem>>) semaphore(%run_scoped3A_313 : memref<!tpu.dma_semaphore, #tpu.memory_space<semaphore_mem>>) {add = true}
        %dma_wait3A_320 = arith.constant 0 : i32
        %dma_wait3A_321 = tpu.memref_slice %arg12[%run_scoped3A, %dma_wait3A_320] : memref<8x128xi32, #tpu.memory_space<vmem>> -> memref<1x128xi32, #tpu.memory_space<vmem>>
        %dma_wait3A_322 = tpu.memref_squeeze %dma_wait3A_321 : memref<1x128xi32, #tpu.memory_space<vmem>> -> memref<128xi32, #tpu.memory_space<vmem>>
        %dma_wait3A_323 = arith.constant 0 : i32
        %dma_wait3A_324 = arith.constant 0 : i32
        %dma_wait3A_325 = tpu.memref_slice %arg16[%dma_wait3A_323, %dma_wait3A_324] : memref<10112x128xf32, #tpu.memory_space<vmem_shared>> -> memref<10112x128xf32, #tpu.memory_space<vmem_shared>>
        tpu.wait_indirect_dma semaphore(%run_scoped3A_313 : memref<!tpu.dma_semaphore, #tpu.memory_space<semaphore_mem>>) src(%arg14 : memref<128x128xf32, #tpu.memory_space<vmem>>) dst(%dma_wait3A_325 : memref<10112x128xf32, #tpu.memory_space<vmem_shared>>)
        tpu.yield
      }) : () -> ()
      %run_scoped3A_65 = arith.constant 0 : i32
      "tpu.region"() ({
        %run_scoped3A_313 = tpu.sem_alloc : memref<!tpu.dma_semaphore, #tpu.memory_space<semaphore_mem>>
        %dma_start3A_314 = arith.constant 0 : i32
        %dma_start3A_315 = tpu.memref_slice %arg12[%run_scoped3A_65, %dma_start3A_314] : memref<8x128xi32, #tpu.memory_space<vmem>> -> memref<1x128xi32, #tpu.memory_space<vmem>>
        %dma_start3A_316 = tpu.memref_squeeze %dma_start3A_315 : memref<1x128xi32, #tpu.memory_space<vmem>> -> memref<128xi32, #tpu.memory_space<vmem>>
        %dma_start3A_317 = arith.constant 0 : i32
        %dma_start3A_318 = arith.constant 0 : i32
        %dma_start3A_319 = tpu.memref_slice %arg22[%dma_start3A_317, %dma_start3A_318] : memref<10112x16xf32, #tpu.memory_space<vmem_shared>> -> memref<10112x16xf32, #tpu.memory_space<vmem_shared>>
        tpu.enqueue_indirect_dma source(%arg21 : memref<128x16xf32, #tpu.memory_space<vmem>>) target(%dma_start3A_319 : memref<10112x16xf32, #tpu.memory_space<vmem_shared>>) offsets(%dma_start3A_316 : memref<128xi32, #tpu.memory_space<vmem>>) semaphore(%run_scoped3A_313 : memref<!tpu.dma_semaphore, #tpu.memory_space<semaphore_mem>>) {add = true}
        %dma_wait3A_320 = arith.constant 0 : i32
        %dma_wait3A_321 = tpu.memref_slice %arg12[%run_scoped3A_65, %dma_wait3A_320] : memref<8x128xi32, #tpu.memory_space<vmem>> -> memref<1x128xi32, #tpu.memory_space<vmem>>
        %dma_wait3A_322 = tpu.memref_squeeze %dma_wait3A_321 : memref<1x128xi32, #tpu.memory_space<vmem>> -> memref<128xi32, #tpu.memory_space<vmem>>
        %dma_wait3A_323 = arith.constant 0 : i32
        %dma_wait3A_324 = arith.constant 0 : i32
        %dma_wait3A_325 = tpu.memref_slice %arg22[%dma_wait3A_323, %dma_wait3A_324] : memref<10112x16xf32, #tpu.memory_space<vmem_shared>> -> memref<10112x16xf32, #tpu.memory_space<vmem_shared>>
        tpu.wait_indirect_dma semaphore(%run_scoped3A_313 : memref<!tpu.dma_semaphore, #tpu.memory_space<semaphore_mem>>) src(%arg21 : memref<128x16xf32, #tpu.memory_space<vmem>>) dst(%dma_wait3A_325 : memref<10112x16xf32, #tpu.memory_space<vmem_shared>>)
        tpu.yield
      }) : () -> ()
      %dma_start3A_66 = arith.constant 2 : i32
      %dma_start3A_67 = arith.constant 0 : i32
      %dma_start3A_68 = tpu.memref_slice %arg10[%dma_start3A_66, %dma_start3A_67] : memref<8x128xi32, #tpu.memory_space<vmem>> -> memref<1x128xi32, #tpu.memory_space<vmem>>
      %dma_start3A_69 = tpu.memref_squeeze %dma_start3A_68 : memref<1x128xi32, #tpu.memory_space<vmem>> -> memref<128xi32, #tpu.memory_space<vmem>>
      %dma_start3A_70 = arith.constant 0 : i32
      %dma_start3A_71 = arith.constant 0 : i32
      %dma_start3A_72 = tpu.memref_slice %arg2[%dma_start3A_70, %dma_start3A_71] : memref<10000x128xf32, #tpu.memory_space<hbm>> -> memref<10000x128xf32, #tpu.memory_space<hbm>>
      tpu.enqueue_indirect_dma source(%dma_start3A_72 : memref<10000x128xf32, #tpu.memory_space<hbm>>) target(%arg14 : memref<128x128xf32, #tpu.memory_space<vmem>>) offsets(%dma_start3A_69 : memref<128xi32, #tpu.memory_space<vmem>>) semaphore(%arg17 : memref<!tpu.dma_semaphore, #tpu.memory_space<semaphore_mem>>)
      %dma_wait3A_73 = arith.constant 1 : i32
      %dma_wait3A_74 = arith.constant 0 : i32
      %dma_wait3A_75 = tpu.memref_slice %arg10[%dma_wait3A_73, %dma_wait3A_74] : memref<8x128xi32, #tpu.memory_space<vmem>> -> memref<1x128xi32, #tpu.memory_space<vmem>>
      %dma_wait3A_76 = tpu.memref_squeeze %dma_wait3A_75 : memref<1x128xi32, #tpu.memory_space<vmem>> -> memref<128xi32, #tpu.memory_space<vmem>>
      %dma_wait3A_77 = arith.constant 0 : i32
      %dma_wait3A_78 = arith.constant 0 : i32
      %dma_wait3A_79 = tpu.memref_slice %arg2[%dma_wait3A_77, %dma_wait3A_78] : memref<10000x128xf32, #tpu.memory_space<hbm>> -> memref<10000x128xf32, #tpu.memory_space<hbm>>
      tpu.wait_indirect_dma semaphore(%arg18 : memref<!tpu.dma_semaphore, #tpu.memory_space<semaphore_mem>>) src(%dma_wait3A_79 : memref<10000x128xf32, #tpu.memory_space<hbm>>) dst(%arg15 : memref<128x128xf32, #tpu.memory_space<vmem>>)
      %run_scoped3A_80 = arith.constant 1 : i32
      "tpu.region"() ({
        %run_scoped3A_313 = tpu.sem_alloc : memref<!tpu.dma_semaphore, #tpu.memory_space<semaphore_mem>>
        %dma_start3A_314 = arith.constant 0 : i32
        %dma_start3A_315 = tpu.memref_slice %arg12[%run_scoped3A_80, %dma_start3A_314] : memref<8x128xi32, #tpu.memory_space<vmem>> -> memref<1x128xi32, #tpu.memory_space<vmem>>
        %dma_start3A_316 = tpu.memref_squeeze %dma_start3A_315 : memref<1x128xi32, #tpu.memory_space<vmem>> -> memref<128xi32, #tpu.memory_space<vmem>>
        %dma_start3A_317 = arith.constant 0 : i32
        %dma_start3A_318 = arith.constant 0 : i32
        %dma_start3A_319 = tpu.memref_slice %arg16[%dma_start3A_317, %dma_start3A_318] : memref<10112x128xf32, #tpu.memory_space<vmem_shared>> -> memref<10112x128xf32, #tpu.memory_space<vmem_shared>>
        tpu.enqueue_indirect_dma source(%arg15 : memref<128x128xf32, #tpu.memory_space<vmem>>) target(%dma_start3A_319 : memref<10112x128xf32, #tpu.memory_space<vmem_shared>>) offsets(%dma_start3A_316 : memref<128xi32, #tpu.memory_space<vmem>>) semaphore(%run_scoped3A_313 : memref<!tpu.dma_semaphore, #tpu.memory_space<semaphore_mem>>) {add = true}
        %dma_wait3A_320 = arith.constant 0 : i32
        %dma_wait3A_321 = tpu.memref_slice %arg12[%run_scoped3A_80, %dma_wait3A_320] : memref<8x128xi32, #tpu.memory_space<vmem>> -> memref<1x128xi32, #tpu.memory_space<vmem>>
        %dma_wait3A_322 = tpu.memref_squeeze %dma_wait3A_321 : memref<1x128xi32, #tpu.memory_space<vmem>> -> memref<128xi32, #tpu.memory_space<vmem>>
        %dma_wait3A_323 = arith.constant 0 : i32
        %dma_wait3A_324 = arith.constant 0 : i32
        %dma_wait3A_325 = tpu.memref_slice %arg16[%dma_wait3A_323, %dma_wait3A_324] : memref<10112x128xf32, #tpu.memory_space<vmem_shared>> -> memref<10112x128xf32, #tpu.memory_space<vmem_shared>>
        tpu.wait_indirect_dma semaphore(%run_scoped3A_313 : memref<!tpu.dma_semaphore, #tpu.memory_space<semaphore_mem>>) src(%arg15 : memref<128x128xf32, #tpu.memory_space<vmem>>) dst(%dma_wait3A_325 : memref<10112x128xf32, #tpu.memory_space<vmem_shared>>)
        tpu.yield
      }) : () -> ()
      %run_scoped3A_81 = arith.constant 1 : i32
      "tpu.region"() ({
        %run_scoped3A_313 = tpu.sem_alloc : memref<!tpu.dma_semaphore, #tpu.memory_space<semaphore_mem>>
        %dma_start3A_314 = arith.constant 0 : i32
        %dma_start3A_315 = tpu.memref_slice %arg12[%run_scoped3A_81, %dma_start3A_314] : memref<8x128xi32, #tpu.memory_space<vmem>> -> memref<1x128xi32, #tpu.memory_space<vmem>>
        %dma_start3A_316 = tpu.memref_squeeze %dma_start3A_315 : memref<1x128xi32, #tpu.memory_space<vmem>> -> memref<128xi32, #tpu.memory_space<vmem>>
        %dma_start3A_317 = arith.constant 0 : i32
        %dma_start3A_318 = arith.constant 0 : i32
        %dma_start3A_319 = tpu.memref_slice %arg22[%dma_start3A_317, %dma_start3A_318] : memref<10112x16xf32, #tpu.memory_space<vmem_shared>> -> memref<10112x16xf32, #tpu.memory_space<vmem_shared>>
        tpu.enqueue_indirect_dma source(%arg21 : memref<128x16xf32, #tpu.memory_space<vmem>>) target(%dma_start3A_319 : memref<10112x16xf32, #tpu.memory_space<vmem_shared>>) offsets(%dma_start3A_316 : memref<128xi32, #tpu.memory_space<vmem>>) semaphore(%run_scoped3A_313 : memref<!tpu.dma_semaphore, #tpu.memory_space<semaphore_mem>>) {add = true}
        %dma_wait3A_320 = arith.constant 0 : i32
        %dma_wait3A_321 = tpu.memref_slice %arg12[%run_scoped3A_81, %dma_wait3A_320] : memref<8x128xi32, #tpu.memory_space<vmem>> -> memref<1x128xi32, #tpu.memory_space<vmem>>
        %dma_wait3A_322 = tpu.memref_squeeze %dma_wait3A_321 : memref<1x128xi32, #tpu.memory_space<vmem>> -> memref<128xi32, #tpu.memory_space<vmem>>
        %dma_wait3A_323 = arith.constant 0 : i32
        %dma_wait3A_324 = arith.constant 0 : i32
        %dma_wait3A_325 = tpu.memref_slice %arg22[%dma_wait3A_323, %dma_wait3A_324] : memref<10112x16xf32, #tpu.memory_space<vmem_shared>> -> memref<10112x16xf32, #tpu.memory_space<vmem_shared>>
        tpu.wait_indirect_dma semaphore(%run_scoped3A_313 : memref<!tpu.dma_semaphore, #tpu.memory_space<semaphore_mem>>) src(%arg21 : memref<128x16xf32, #tpu.memory_space<vmem>>) dst(%dma_wait3A_325 : memref<10112x16xf32, #tpu.memory_space<vmem_shared>>)
        tpu.yield
      }) : () -> ()
      %dma_start3A_82 = arith.constant 3 : i32
      %dma_start3A_83 = arith.constant 0 : i32
      %dma_start3A_84 = tpu.memref_slice %arg10[%dma_start3A_82, %dma_start3A_83] : memref<8x128xi32, #tpu.memory_space<vmem>> -> memref<1x128xi32, #tpu.memory_space<vmem>>
      %dma_start3A_85 = tpu.memref_squeeze %dma_start3A_84 : memref<1x128xi32, #tpu.memory_space<vmem>> -> memref<128xi32, #tpu.memory_space<vmem>>
      %dma_start3A_86 = arith.constant 0 : i32
      %dma_start3A_87 = arith.constant 0 : i32
      %dma_start3A_88 = tpu.memref_slice %arg2[%dma_start3A_86, %dma_start3A_87] : memref<10000x128xf32, #tpu.memory_space<hbm>> -> memref<10000x128xf32, #tpu.memory_space<hbm>>
      tpu.enqueue_indirect_dma source(%dma_start3A_88 : memref<10000x128xf32, #tpu.memory_space<hbm>>) target(%arg15 : memref<128x128xf32, #tpu.memory_space<vmem>>) offsets(%dma_start3A_85 : memref<128xi32, #tpu.memory_space<vmem>>) semaphore(%arg18 : memref<!tpu.dma_semaphore, #tpu.memory_space<semaphore_mem>>)
      %dma_wait3A_89 = arith.constant 2 : i32
      %dma_wait3A_90 = arith.constant 0 : i32
      %dma_wait3A_91 = tpu.memref_slice %arg10[%dma_wait3A_89, %dma_wait3A_90] : memref<8x128xi32, #tpu.memory_space<vmem>> -> memref<1x128xi32, #tpu.memory_space<vmem>>
      %dma_wait3A_92 = tpu.memref_squeeze %dma_wait3A_91 : memref<1x128xi32, #tpu.memory_space<vmem>> -> memref<128xi32, #tpu.memory_space<vmem>>
      %dma_wait3A_93 = arith.constant 0 : i32
      %dma_wait3A_94 = arith.constant 0 : i32
      %dma_wait3A_95 = tpu.memref_slice %arg2[%dma_wait3A_93, %dma_wait3A_94] : memref<10000x128xf32, #tpu.memory_space<hbm>> -> memref<10000x128xf32, #tpu.memory_space<hbm>>
      tpu.wait_indirect_dma semaphore(%arg17 : memref<!tpu.dma_semaphore, #tpu.memory_space<semaphore_mem>>) src(%dma_wait3A_95 : memref<10000x128xf32, #tpu.memory_space<hbm>>) dst(%arg14 : memref<128x128xf32, #tpu.memory_space<vmem>>)
      %run_scoped3A_96 = arith.constant 2 : i32
      "tpu.region"() ({
        %run_scoped3A_313 = tpu.sem_alloc : memref<!tpu.dma_semaphore, #tpu.memory_space<semaphore_mem>>
        %dma_start3A_314 = arith.constant 0 : i32
        %dma_start3A_315 = tpu.memref_slice %arg12[%run_scoped3A_96, %dma_start3A_314] : memref<8x128xi32, #tpu.memory_space<vmem>> -> memref<1x128xi32, #tpu.memory_space<vmem>>
        %dma_start3A_316 = tpu.memref_squeeze %dma_start3A_315 : memref<1x128xi32, #tpu.memory_space<vmem>> -> memref<128xi32, #tpu.memory_space<vmem>>
        %dma_start3A_317 = arith.constant 0 : i32
        %dma_start3A_318 = arith.constant 0 : i32
        %dma_start3A_319 = tpu.memref_slice %arg16[%dma_start3A_317, %dma_start3A_318] : memref<10112x128xf32, #tpu.memory_space<vmem_shared>> -> memref<10112x128xf32, #tpu.memory_space<vmem_shared>>
        tpu.enqueue_indirect_dma source(%arg14 : memref<128x128xf32, #tpu.memory_space<vmem>>) target(%dma_start3A_319 : memref<10112x128xf32, #tpu.memory_space<vmem_shared>>) offsets(%dma_start3A_316 : memref<128xi32, #tpu.memory_space<vmem>>) semaphore(%run_scoped3A_313 : memref<!tpu.dma_semaphore, #tpu.memory_space<semaphore_mem>>) {add = true}
        %dma_wait3A_320 = arith.constant 0 : i32
        %dma_wait3A_321 = tpu.memref_slice %arg12[%run_scoped3A_96, %dma_wait3A_320] : memref<8x128xi32, #tpu.memory_space<vmem>> -> memref<1x128xi32, #tpu.memory_space<vmem>>
        %dma_wait3A_322 = tpu.memref_squeeze %dma_wait3A_321 : memref<1x128xi32, #tpu.memory_space<vmem>> -> memref<128xi32, #tpu.memory_space<vmem>>
        %dma_wait3A_323 = arith.constant 0 : i32
        %dma_wait3A_324 = arith.constant 0 : i32
        %dma_wait3A_325 = tpu.memref_slice %arg16[%dma_wait3A_323, %dma_wait3A_324] : memref<10112x128xf32, #tpu.memory_space<vmem_shared>> -> memref<10112x128xf32, #tpu.memory_space<vmem_shared>>
        tpu.wait_indirect_dma semaphore(%run_scoped3A_313 : memref<!tpu.dma_semaphore, #tpu.memory_space<semaphore_mem>>) src(%arg14 : memref<128x128xf32, #tpu.memory_space<vmem>>) dst(%dma_wait3A_325 : memref<10112x128xf32, #tpu.memory_space<vmem_shared>>)
        tpu.yield
      }) : () -> ()
      %run_scoped3A_97 = arith.constant 2 : i32
      "tpu.region"() ({
        %run_scoped3A_313 = tpu.sem_alloc : memref<!tpu.dma_semaphore, #tpu.memory_space<semaphore_mem>>
        %dma_start3A_314 = arith.constant 0 : i32
        %dma_start3A_315 = tpu.memref_slice %arg12[%run_scoped3A_97, %dma_start3A_314] : memref<8x128xi32, #tpu.memory_space<vmem>> -> memref<1x128xi32, #tpu.memory_space<vmem>>
        %dma_start3A_316 = tpu.memref_squeeze %dma_start3A_315 : memref<1x128xi32, #tpu.memory_space<vmem>> -> memref<128xi32, #tpu.memory_space<vmem>>
        %dma_start3A_317 = arith.constant 0 : i32
        %dma_start3A_318 = arith.constant 0 : i32
        %dma_start3A_319 = tpu.memref_slice %arg22[%dma_start3A_317, %dma_start3A_318] : memref<10112x16xf32, #tpu.memory_space<vmem_shared>> -> memref<10112x16xf32, #tpu.memory_space<vmem_shared>>
        tpu.enqueue_indirect_dma source(%arg21 : memref<128x16xf32, #tpu.memory_space<vmem>>) target(%dma_start3A_319 : memref<10112x16xf32, #tpu.memory_space<vmem_shared>>) offsets(%dma_start3A_316 : memref<128xi32, #tpu.memory_space<vmem>>) semaphore(%run_scoped3A_313 : memref<!tpu.dma_semaphore, #tpu.memory_space<semaphore_mem>>) {add = true}
        %dma_wait3A_320 = arith.constant 0 : i32
        %dma_wait3A_321 = tpu.memref_slice %arg12[%run_scoped3A_97, %dma_wait3A_320] : memref<8x128xi32, #tpu.memory_space<vmem>> -> memref<1x128xi32, #tpu.memory_space<vmem>>
        %dma_wait3A_322 = tpu.memref_squeeze %dma_wait3A_321 : memref<1x128xi32, #tpu.memory_space<vmem>> -> memref<128xi32, #tpu.memory_space<vmem>>
        %dma_wait3A_323 = arith.constant 0 : i32
        %dma_wait3A_324 = arith.constant 0 : i32
        %dma_wait3A_325 = tpu.memref_slice %arg22[%dma_wait3A_323, %dma_wait3A_324] : memref<10112x16xf32, #tpu.memory_space<vmem_shared>> -> memref<10112x16xf32, #tpu.memory_space<vmem_shared>>
        tpu.wait_indirect_dma semaphore(%run_scoped3A_313 : memref<!tpu.dma_semaphore, #tpu.memory_space<semaphore_mem>>) src(%arg21 : memref<128x16xf32, #tpu.memory_space<vmem>>) dst(%dma_wait3A_325 : memref<10112x16xf32, #tpu.memory_space<vmem_shared>>)
        tpu.yield
      }) : () -> ()
      %dma_start3A_98 = arith.constant 4 : i32
      %dma_start3A_99 = arith.constant 0 : i32
      %dma_start3A_100 = tpu.memref_slice %arg10[%dma_start3A_98, %dma_start3A_99] : memref<8x128xi32, #tpu.memory_space<vmem>> -> memref<1x128xi32, #tpu.memory_space<vmem>>
      %dma_start3A_101 = tpu.memref_squeeze %dma_start3A_100 : memref<1x128xi32, #tpu.memory_space<vmem>> -> memref<128xi32, #tpu.memory_space<vmem>>
      %dma_start3A_102 = arith.constant 0 : i32
      %dma_start3A_103 = arith.constant 0 : i32
      %dma_start3A_104 = tpu.memref_slice %arg2[%dma_start3A_102, %dma_start3A_103] : memref<10000x128xf32, #tpu.memory_space<hbm>> -> memref<10000x128xf32, #tpu.memory_space<hbm>>
      tpu.enqueue_indirect_dma source(%dma_start3A_104 : memref<10000x128xf32, #tpu.memory_space<hbm>>) target(%arg14 : memref<128x128xf32, #tpu.memory_space<vmem>>) offsets(%dma_start3A_101 : memref<128xi32, #tpu.memory_space<vmem>>) semaphore(%arg17 : memref<!tpu.dma_semaphore, #tpu.memory_space<semaphore_mem>>)
      %dma_wait3A_105 = arith.constant 3 : i32
      %dma_wait3A_106 = arith.constant 0 : i32
      %dma_wait3A_107 = tpu.memref_slice %arg10[%dma_wait3A_105, %dma_wait3A_106] : memref<8x128xi32, #tpu.memory_space<vmem>> -> memref<1x128xi32, #tpu.memory_space<vmem>>
      %dma_wait3A_108 = tpu.memref_squeeze %dma_wait3A_107 : memref<1x128xi32, #tpu.memory_space<vmem>> -> memref<128xi32, #tpu.memory_space<vmem>>
      %dma_wait3A_109 = arith.constant 0 : i32
      %dma_wait3A_110 = arith.constant 0 : i32
      %dma_wait3A_111 = tpu.memref_slice %arg2[%dma_wait3A_109, %dma_wait3A_110] : memref<10000x128xf32, #tpu.memory_space<hbm>> -> memref<10000x128xf32, #tpu.memory_space<hbm>>
      tpu.wait_indirect_dma semaphore(%arg18 : memref<!tpu.dma_semaphore, #tpu.memory_space<semaphore_mem>>) src(%dma_wait3A_111 : memref<10000x128xf32, #tpu.memory_space<hbm>>) dst(%arg15 : memref<128x128xf32, #tpu.memory_space<vmem>>)
      %run_scoped3A_112 = arith.constant 3 : i32
      "tpu.region"() ({
        %run_scoped3A_313 = tpu.sem_alloc : memref<!tpu.dma_semaphore, #tpu.memory_space<semaphore_mem>>
        %dma_start3A_314 = arith.constant 0 : i32
        %dma_start3A_315 = tpu.memref_slice %arg12[%run_scoped3A_112, %dma_start3A_314] : memref<8x128xi32, #tpu.memory_space<vmem>> -> memref<1x128xi32, #tpu.memory_space<vmem>>
        %dma_start3A_316 = tpu.memref_squeeze %dma_start3A_315 : memref<1x128xi32, #tpu.memory_space<vmem>> -> memref<128xi32, #tpu.memory_space<vmem>>
        %dma_start3A_317 = arith.constant 0 : i32
        %dma_start3A_318 = arith.constant 0 : i32
        %dma_start3A_319 = tpu.memref_slice %arg16[%dma_start3A_317, %dma_start3A_318] : memref<10112x128xf32, #tpu.memory_space<vmem_shared>> -> memref<10112x128xf32, #tpu.memory_space<vmem_shared>>
        tpu.enqueue_indirect_dma source(%arg15 : memref<128x128xf32, #tpu.memory_space<vmem>>) target(%dma_start3A_319 : memref<10112x128xf32, #tpu.memory_space<vmem_shared>>) offsets(%dma_start3A_316 : memref<128xi32, #tpu.memory_space<vmem>>) semaphore(%run_scoped3A_313 : memref<!tpu.dma_semaphore, #tpu.memory_space<semaphore_mem>>) {add = true}
        %dma_wait3A_320 = arith.constant 0 : i32
        %dma_wait3A_321 = tpu.memref_slice %arg12[%run_scoped3A_112, %dma_wait3A_320] : memref<8x128xi32, #tpu.memory_space<vmem>> -> memref<1x128xi32, #tpu.memory_space<vmem>>
        %dma_wait3A_322 = tpu.memref_squeeze %dma_wait3A_321 : memref<1x128xi32, #tpu.memory_space<vmem>> -> memref<128xi32, #tpu.memory_space<vmem>>
        %dma_wait3A_323 = arith.constant 0 : i32
        %dma_wait3A_324 = arith.constant 0 : i32
        %dma_wait3A_325 = tpu.memref_slice %arg16[%dma_wait3A_323, %dma_wait3A_324] : memref<10112x128xf32, #tpu.memory_space<vmem_shared>> -> memref<10112x128xf32, #tpu.memory_space<vmem_shared>>
        tpu.wait_indirect_dma semaphore(%run_scoped3A_313 : memref<!tpu.dma_semaphore, #tpu.memory_space<semaphore_mem>>) src(%arg15 : memref<128x128xf32, #tpu.memory_space<vmem>>) dst(%dma_wait3A_325 : memref<10112x128xf32, #tpu.memory_space<vmem_shared>>)
        tpu.yield
      }) : () -> ()
      %run_scoped3A_113 = arith.constant 3 : i32
      "tpu.region"() ({
        %run_scoped3A_313 = tpu.sem_alloc : memref<!tpu.dma_semaphore, #tpu.memory_space<semaphore_mem>>
        %dma_start3A_314 = arith.constant 0 : i32
        %dma_start3A_315 = tpu.memref_slice %arg12[%run_scoped3A_113, %dma_start3A_314] : memref<8x128xi32, #tpu.memory_space<vmem>> -> memref<1x128xi32, #tpu.memory_space<vmem>>
        %dma_start3A_316 = tpu.memref_squeeze %dma_start3A_315 : memref<1x128xi32, #tpu.memory_space<vmem>> -> memref<128xi32, #tpu.memory_space<vmem>>
        %dma_start3A_317 = arith.constant 0 : i32
        %dma_start3A_318 = arith.constant 0 : i32
        %dma_start3A_319 = tpu.memref_slice %arg22[%dma_start3A_317, %dma_start3A_318] : memref<10112x16xf32, #tpu.memory_space<vmem_shared>> -> memref<10112x16xf32, #tpu.memory_space<vmem_shared>>
        tpu.enqueue_indirect_dma source(%arg21 : memref<128x16xf32, #tpu.memory_space<vmem>>) target(%dma_start3A_319 : memref<10112x16xf32, #tpu.memory_space<vmem_shared>>) offsets(%dma_start3A_316 : memref<128xi32, #tpu.memory_space<vmem>>) semaphore(%run_scoped3A_313 : memref<!tpu.dma_semaphore, #tpu.memory_space<semaphore_mem>>) {add = true}
        %dma_wait3A_320 = arith.constant 0 : i32
        %dma_wait3A_321 = tpu.memref_slice %arg12[%run_scoped3A_113, %dma_wait3A_320] : memref<8x128xi32, #tpu.memory_space<vmem>> -> memref<1x128xi32, #tpu.memory_space<vmem>>
        %dma_wait3A_322 = tpu.memref_squeeze %dma_wait3A_321 : memref<1x128xi32, #tpu.memory_space<vmem>> -> memref<128xi32, #tpu.memory_space<vmem>>
        %dma_wait3A_323 = arith.constant 0 : i32
        %dma_wait3A_324 = arith.constant 0 : i32
        %dma_wait3A_325 = tpu.memref_slice %arg22[%dma_wait3A_323, %dma_wait3A_324] : memref<10112x16xf32, #tpu.memory_space<vmem_shared>> -> memref<10112x16xf32, #tpu.memory_space<vmem_shared>>
        tpu.wait_indirect_dma semaphore(%run_scoped3A_313 : memref<!tpu.dma_semaphore, #tpu.memory_space<semaphore_mem>>) src(%arg21 : memref<128x16xf32, #tpu.memory_space<vmem>>) dst(%dma_wait3A_325 : memref<10112x16xf32, #tpu.memory_space<vmem_shared>>)
        tpu.yield
      }) : () -> ()
      %dma_start3A_114 = arith.constant 5 : i32
      %dma_start3A_115 = arith.constant 0 : i32
      %dma_start3A_116 = tpu.memref_slice %arg10[%dma_start3A_114, %dma_start3A_115] : memref<8x128xi32, #tpu.memory_space<vmem>> -> memref<1x128xi32, #tpu.memory_space<vmem>>
      %dma_start3A_117 = tpu.memref_squeeze %dma_start3A_116 : memref<1x128xi32, #tpu.memory_space<vmem>> -> memref<128xi32, #tpu.memory_space<vmem>>
      %dma_start3A_118 = arith.constant 0 : i32
      %dma_start3A_119 = arith.constant 0 : i32
      %dma_start3A_120 = tpu.memref_slice %arg2[%dma_start3A_118, %dma_start3A_119] : memref<10000x128xf32, #tpu.memory_space<hbm>> -> memref<10000x128xf32, #tpu.memory_space<hbm>>
      tpu.enqueue_indirect_dma source(%dma_start3A_120 : memref<10000x128xf32, #tpu.memory_space<hbm>>) target(%arg15 : memref<128x128xf32, #tpu.memory_space<vmem>>) offsets(%dma_start3A_117 : memref<128xi32, #tpu.memory_space<vmem>>) semaphore(%arg18 : memref<!tpu.dma_semaphore, #tpu.memory_space<semaphore_mem>>)
      %dma_wait3A_121 = arith.constant 4 : i32
      %dma_wait3A_122 = arith.constant 0 : i32
      %dma_wait3A_123 = tpu.memref_slice %arg10[%dma_wait3A_121, %dma_wait3A_122] : memref<8x128xi32, #tpu.memory_space<vmem>> -> memref<1x128xi32, #tpu.memory_space<vmem>>
      %dma_wait3A_124 = tpu.memref_squeeze %dma_wait3A_123 : memref<1x128xi32, #tpu.memory_space<vmem>> -> memref<128xi32, #tpu.memory_space<vmem>>
      %dma_wait3A_125 = arith.constant 0 : i32
      %dma_wait3A_126 = arith.constant 0 : i32
      %dma_wait3A_127 = tpu.memref_slice %arg2[%dma_wait3A_125, %dma_wait3A_126] : memref<10000x128xf32, #tpu.memory_space<hbm>> -> memref<10000x128xf32, #tpu.memory_space<hbm>>
      tpu.wait_indirect_dma semaphore(%arg17 : memref<!tpu.dma_semaphore, #tpu.memory_space<semaphore_mem>>) src(%dma_wait3A_127 : memref<10000x128xf32, #tpu.memory_space<hbm>>) dst(%arg14 : memref<128x128xf32, #tpu.memory_space<vmem>>)
      %run_scoped3A_128 = arith.constant 4 : i32
      "tpu.region"() ({
        %run_scoped3A_313 = tpu.sem_alloc : memref<!tpu.dma_semaphore, #tpu.memory_space<semaphore_mem>>
        %dma_start3A_314 = arith.constant 0 : i32
        %dma_start3A_315 = tpu.memref_slice %arg12[%run_scoped3A_128, %dma_start3A_314] : memref<8x128xi32, #tpu.memory_space<vmem>> -> memref<1x128xi32, #tpu.memory_space<vmem>>
        %dma_start3A_316 = tpu.memref_squeeze %dma_start3A_315 : memref<1x128xi32, #tpu.memory_space<vmem>> -> memref<128xi32, #tpu.memory_space<vmem>>
        %dma_start3A_317 = arith.constant 0 : i32
        %dma_start3A_318 = arith.constant 0 : i32
        %dma_start3A_319 = tpu.memref_slice %arg16[%dma_start3A_317, %dma_start3A_318] : memref<10112x128xf32, #tpu.memory_space<vmem_shared>> -> memref<10112x128xf32, #tpu.memory_space<vmem_shared>>
        tpu.enqueue_indirect_dma source(%arg14 : memref<128x128xf32, #tpu.memory_space<vmem>>) target(%dma_start3A_319 : memref<10112x128xf32, #tpu.memory_space<vmem_shared>>) offsets(%dma_start3A_316 : memref<128xi32, #tpu.memory_space<vmem>>) semaphore(%run_scoped3A_313 : memref<!tpu.dma_semaphore, #tpu.memory_space<semaphore_mem>>) {add = true}
        %dma_wait3A_320 = arith.constant 0 : i32
        %dma_wait3A_321 = tpu.memref_slice %arg12[%run_scoped3A_128, %dma_wait3A_320] : memref<8x128xi32, #tpu.memory_space<vmem>> -> memref<1x128xi32, #tpu.memory_space<vmem>>
        %dma_wait3A_322 = tpu.memref_squeeze %dma_wait3A_321 : memref<1x128xi32, #tpu.memory_space<vmem>> -> memref<128xi32, #tpu.memory_space<vmem>>
        %dma_wait3A_323 = arith.constant 0 : i32
        %dma_wait3A_324 = arith.constant 0 : i32
        %dma_wait3A_325 = tpu.memref_slice %arg16[%dma_wait3A_323, %dma_wait3A_324] : memref<10112x128xf32, #tpu.memory_space<vmem_shared>> -> memref<10112x128xf32, #tpu.memory_space<vmem_shared>>
        tpu.wait_indirect_dma semaphore(%run_scoped3A_313 : memref<!tpu.dma_semaphore, #tpu.memory_space<semaphore_mem>>) src(%arg14 : memref<128x128xf32, #tpu.memory_space<vmem>>) dst(%dma_wait3A_325 : memref<10112x128xf32, #tpu.memory_space<vmem_shared>>)
        tpu.yield
      }) : () -> ()
      %run_scoped3A_129 = arith.constant 4 : i32
      "tpu.region"() ({
        %run_scoped3A_313 = tpu.sem_alloc : memref<!tpu.dma_semaphore, #tpu.memory_space<semaphore_mem>>
        %dma_start3A_314 = arith.constant 0 : i32
        %dma_start3A_315 = tpu.memref_slice %arg12[%run_scoped3A_129, %dma_start3A_314] : memref<8x128xi32, #tpu.memory_space<vmem>> -> memref<1x128xi32, #tpu.memory_space<vmem>>
        %dma_start3A_316 = tpu.memref_squeeze %dma_start3A_315 : memref<1x128xi32, #tpu.memory_space<vmem>> -> memref<128xi32, #tpu.memory_space<vmem>>
        %dma_start3A_317 = arith.constant 0 : i32
        %dma_start3A_318 = arith.constant 0 : i32
        %dma_start3A_319 = tpu.memref_slice %arg22[%dma_start3A_317, %dma_start3A_318] : memref<10112x16xf32, #tpu.memory_space<vmem_shared>> -> memref<10112x16xf32, #tpu.memory_space<vmem_shared>>
        tpu.enqueue_indirect_dma source(%arg21 : memref<128x16xf32, #tpu.memory_space<vmem>>) target(%dma_start3A_319 : memref<10112x16xf32, #tpu.memory_space<vmem_shared>>) offsets(%dma_start3A_316 : memref<128xi32, #tpu.memory_space<vmem>>) semaphore(%run_scoped3A_313 : memref<!tpu.dma_semaphore, #tpu.memory_space<semaphore_mem>>) {add = true}
        %dma_wait3A_320 = arith.constant 0 : i32
        %dma_wait3A_321 = tpu.memref_slice %arg12[%run_scoped3A_129, %dma_wait3A_320] : memref<8x128xi32, #tpu.memory_space<vmem>> -> memref<1x128xi32, #tpu.memory_space<vmem>>
        %dma_wait3A_322 = tpu.memref_squeeze %dma_wait3A_321 : memref<1x128xi32, #tpu.memory_space<vmem>> -> memref<128xi32, #tpu.memory_space<vmem>>
        %dma_wait3A_323 = arith.constant 0 : i32
        %dma_wait3A_324 = arith.constant 0 : i32
        %dma_wait3A_325 = tpu.memref_slice %arg22[%dma_wait3A_323, %dma_wait3A_324] : memref<10112x16xf32, #tpu.memory_space<vmem_shared>> -> memref<10112x16xf32, #tpu.memory_space<vmem_shared>>
        tpu.wait_indirect_dma semaphore(%run_scoped3A_313 : memref<!tpu.dma_semaphore, #tpu.memory_space<semaphore_mem>>) src(%arg21 : memref<128x16xf32, #tpu.memory_space<vmem>>) dst(%dma_wait3A_325 : memref<10112x16xf32, #tpu.memory_space<vmem_shared>>)
        tpu.yield
      }) : () -> ()
      %dma_start3A_130 = arith.constant 6 : i32
      %dma_start3A_131 = arith.constant 0 : i32
      %dma_start3A_132 = tpu.memref_slice %arg10[%dma_start3A_130, %dma_start3A_131] : memref<8x128xi32, #tpu.memory_space<vmem>> -> memref<1x128xi32, #tpu.memory_space<vmem>>
      %dma_start3A_133 = tpu.memref_squeeze %dma_start3A_132 : memref<1x128xi32, #tpu.memory_space<vmem>> -> memref<128xi32, #tpu.memory_space<vmem>>
      %dma_start3A_134 = arith.constant 0 : i32
      %dma_start3A_135 = arith.constant 0 : i32
      %dma_start3A_136 = tpu.memref_slice %arg2[%dma_start3A_134, %dma_start3A_135] : memref<10000x128xf32, #tpu.memory_space<hbm>> -> memref<10000x128xf32, #tpu.memory_space<hbm>>
      tpu.enqueue_indirect_dma source(%dma_start3A_136 : memref<10000x128xf32, #tpu.memory_space<hbm>>) target(%arg14 : memref<128x128xf32, #tpu.memory_space<vmem>>) offsets(%dma_start3A_133 : memref<128xi32, #tpu.memory_space<vmem>>) semaphore(%arg17 : memref<!tpu.dma_semaphore, #tpu.memory_space<semaphore_mem>>)
      %dma_wait3A_137 = arith.constant 5 : i32
      %dma_wait3A_138 = arith.constant 0 : i32
      %dma_wait3A_139 = tpu.memref_slice %arg10[%dma_wait3A_137, %dma_wait3A_138] : memref<8x128xi32, #tpu.memory_space<vmem>> -> memref<1x128xi32, #tpu.memory_space<vmem>>
      %dma_wait3A_140 = tpu.memref_squeeze %dma_wait3A_139 : memref<1x128xi32, #tpu.memory_space<vmem>> -> memref<128xi32, #tpu.memory_space<vmem>>
      %dma_wait3A_141 = arith.constant 0 : i32
      %dma_wait3A_142 = arith.constant 0 : i32
      %dma_wait3A_143 = tpu.memref_slice %arg2[%dma_wait3A_141, %dma_wait3A_142] : memref<10000x128xf32, #tpu.memory_space<hbm>> -> memref<10000x128xf32, #tpu.memory_space<hbm>>
      tpu.wait_indirect_dma semaphore(%arg18 : memref<!tpu.dma_semaphore, #tpu.memory_space<semaphore_mem>>) src(%dma_wait3A_143 : memref<10000x128xf32, #tpu.memory_space<hbm>>) dst(%arg15 : memref<128x128xf32, #tpu.memory_space<vmem>>)
      %run_scoped3A_144 = arith.constant 5 : i32
      "tpu.region"() ({
        %run_scoped3A_313 = tpu.sem_alloc : memref<!tpu.dma_semaphore, #tpu.memory_space<semaphore_mem>>
        %dma_start3A_314 = arith.constant 0 : i32
        %dma_start3A_315 = tpu.memref_slice %arg12[%run_scoped3A_144, %dma_start3A_314] : memref<8x128xi32, #tpu.memory_space<vmem>> -> memref<1x128xi32, #tpu.memory_space<vmem>>
        %dma_start3A_316 = tpu.memref_squeeze %dma_start3A_315 : memref<1x128xi32, #tpu.memory_space<vmem>> -> memref<128xi32, #tpu.memory_space<vmem>>
        %dma_start3A_317 = arith.constant 0 : i32
        %dma_start3A_318 = arith.constant 0 : i32
        %dma_start3A_319 = tpu.memref_slice %arg16[%dma_start3A_317, %dma_start3A_318] : memref<10112x128xf32, #tpu.memory_space<vmem_shared>> -> memref<10112x128xf32, #tpu.memory_space<vmem_shared>>
        tpu.enqueue_indirect_dma source(%arg15 : memref<128x128xf32, #tpu.memory_space<vmem>>) target(%dma_start3A_319 : memref<10112x128xf32, #tpu.memory_space<vmem_shared>>) offsets(%dma_start3A_316 : memref<128xi32, #tpu.memory_space<vmem>>) semaphore(%run_scoped3A_313 : memref<!tpu.dma_semaphore, #tpu.memory_space<semaphore_mem>>) {add = true}
        %dma_wait3A_320 = arith.constant 0 : i32
        %dma_wait3A_321 = tpu.memref_slice %arg12[%run_scoped3A_144, %dma_wait3A_320] : memref<8x128xi32, #tpu.memory_space<vmem>> -> memref<1x128xi32, #tpu.memory_space<vmem>>
        %dma_wait3A_322 = tpu.memref_squeeze %dma_wait3A_321 : memref<1x128xi32, #tpu.memory_space<vmem>> -> memref<128xi32, #tpu.memory_space<vmem>>
        %dma_wait3A_323 = arith.constant 0 : i32
        %dma_wait3A_324 = arith.constant 0 : i32
        %dma_wait3A_325 = tpu.memref_slice %arg16[%dma_wait3A_323, %dma_wait3A_324] : memref<10112x128xf32, #tpu.memory_space<vmem_shared>> -> memref<10112x128xf32, #tpu.memory_space<vmem_shared>>
        tpu.wait_indirect_dma semaphore(%run_scoped3A_313 : memref<!tpu.dma_semaphore, #tpu.memory_space<semaphore_mem>>) src(%arg15 : memref<128x128xf32, #tpu.memory_space<vmem>>) dst(%dma_wait3A_325 : memref<10112x128xf32, #tpu.memory_space<vmem_shared>>)
        tpu.yield
      }) : () -> ()
      %run_scoped3A_145 = arith.constant 5 : i32
      "tpu.region"() ({
        %run_scoped3A_313 = tpu.sem_alloc : memref<!tpu.dma_semaphore, #tpu.memory_space<semaphore_mem>>
        %dma_start3A_314 = arith.constant 0 : i32
        %dma_start3A_315 = tpu.memref_slice %arg12[%run_scoped3A_145, %dma_start3A_314] : memref<8x128xi32, #tpu.memory_space<vmem>> -> memref<1x128xi32, #tpu.memory_space<vmem>>
        %dma_start3A_316 = tpu.memref_squeeze %dma_start3A_315 : memref<1x128xi32, #tpu.memory_space<vmem>> -> memref<128xi32, #tpu.memory_space<vmem>>
        %dma_start3A_317 = arith.constant 0 : i32
        %dma_start3A_318 = arith.constant 0 : i32
        %dma_start3A_319 = tpu.memref_slice %arg22[%dma_start3A_317, %dma_start3A_318] : memref<10112x16xf32, #tpu.memory_space<vmem_shared>> -> memref<10112x16xf32, #tpu.memory_space<vmem_shared>>
        tpu.enqueue_indirect_dma source(%arg21 : memref<128x16xf32, #tpu.memory_space<vmem>>) target(%dma_start3A_319 : memref<10112x16xf32, #tpu.memory_space<vmem_shared>>) offsets(%dma_start3A_316 : memref<128xi32, #tpu.memory_space<vmem>>) semaphore(%run_scoped3A_313 : memref<!tpu.dma_semaphore, #tpu.memory_space<semaphore_mem>>) {add = true}
        %dma_wait3A_320 = arith.constant 0 : i32
        %dma_wait3A_321 = tpu.memref_slice %arg12[%run_scoped3A_145, %dma_wait3A_320] : memref<8x128xi32, #tpu.memory_space<vmem>> -> memref<1x128xi32, #tpu.memory_space<vmem>>
        %dma_wait3A_322 = tpu.memref_squeeze %dma_wait3A_321 : memref<1x128xi32, #tpu.memory_space<vmem>> -> memref<128xi32, #tpu.memory_space<vmem>>
        %dma_wait3A_323 = arith.constant 0 : i32
        %dma_wait3A_324 = arith.constant 0 : i32
        %dma_wait3A_325 = tpu.memref_slice %arg22[%dma_wait3A_323, %dma_wait3A_324] : memref<10112x16xf32, #tpu.memory_space<vmem_shared>> -> memref<10112x16xf32, #tpu.memory_space<vmem_shared>>
        tpu.wait_indirect_dma semaphore(%run_scoped3A_313 : memref<!tpu.dma_semaphore, #tpu.memory_space<semaphore_mem>>) src(%arg21 : memref<128x16xf32, #tpu.memory_space<vmem>>) dst(%dma_wait3A_325 : memref<10112x16xf32, #tpu.memory_space<vmem_shared>>)
        tpu.yield
      }) : () -> ()
      %dma_start3A_146 = arith.constant 7 : i32
      %dma_start3A_147 = arith.constant 0 : i32
      %dma_start3A_148 = tpu.memref_slice %arg10[%dma_start3A_146, %dma_start3A_147] : memref<8x128xi32, #tpu.memory_space<vmem>> -> memref<1x128xi32, #tpu.memory_space<vmem>>
      %dma_start3A_149 = tpu.memref_squeeze %dma_start3A_148 : memref<1x128xi32, #tpu.memory_space<vmem>> -> memref<128xi32, #tpu.memory_space<vmem>>
      %dma_start3A_150 = arith.constant 0 : i32
      %dma_start3A_151 = arith.constant 0 : i32
      %dma_start3A_152 = tpu.memref_slice %arg2[%dma_start3A_150, %dma_start3A_151] : memref<10000x128xf32, #tpu.memory_space<hbm>> -> memref<10000x128xf32, #tpu.memory_space<hbm>>
      tpu.enqueue_indirect_dma source(%dma_start3A_152 : memref<10000x128xf32, #tpu.memory_space<hbm>>) target(%arg15 : memref<128x128xf32, #tpu.memory_space<vmem>>) offsets(%dma_start3A_149 : memref<128xi32, #tpu.memory_space<vmem>>) semaphore(%arg18 : memref<!tpu.dma_semaphore, #tpu.memory_space<semaphore_mem>>)
      %dma_wait3A_153 = arith.constant 6 : i32
      %dma_wait3A_154 = arith.constant 0 : i32
      %dma_wait3A_155 = tpu.memref_slice %arg10[%dma_wait3A_153, %dma_wait3A_154] : memref<8x128xi32, #tpu.memory_space<vmem>> -> memref<1x128xi32, #tpu.memory_space<vmem>>
      %dma_wait3A_156 = tpu.memref_squeeze %dma_wait3A_155 : memref<1x128xi32, #tpu.memory_space<vmem>> -> memref<128xi32, #tpu.memory_space<vmem>>
      %dma_wait3A_157 = arith.constant 0 : i32
      %dma_wait3A_158 = arith.constant 0 : i32
      %dma_wait3A_159 = tpu.memref_slice %arg2[%dma_wait3A_157, %dma_wait3A_158] : memref<10000x128xf32, #tpu.memory_space<hbm>> -> memref<10000x128xf32, #tpu.memory_space<hbm>>
      tpu.wait_indirect_dma semaphore(%arg17 : memref<!tpu.dma_semaphore, #tpu.memory_space<semaphore_mem>>) src(%dma_wait3A_159 : memref<10000x128xf32, #tpu.memory_space<hbm>>) dst(%arg14 : memref<128x128xf32, #tpu.memory_space<vmem>>)
      %run_scoped3A_160 = arith.constant 6 : i32
      "tpu.region"() ({
        %run_scoped3A_313 = tpu.sem_alloc : memref<!tpu.dma_semaphore, #tpu.memory_space<semaphore_mem>>
        %dma_start3A_314 = arith.constant 0 : i32
        %dma_start3A_315 = tpu.memref_slice %arg12[%run_scoped3A_160, %dma_start3A_314] : memref<8x128xi32, #tpu.memory_space<vmem>> -> memref<1x128xi32, #tpu.memory_space<vmem>>
        %dma_start3A_316 = tpu.memref_squeeze %dma_start3A_315 : memref<1x128xi32, #tpu.memory_space<vmem>> -> memref<128xi32, #tpu.memory_space<vmem>>
        %dma_start3A_317 = arith.constant 0 : i32
        %dma_start3A_318 = arith.constant 0 : i32
        %dma_start3A_319 = tpu.memref_slice %arg16[%dma_start3A_317, %dma_start3A_318] : memref<10112x128xf32, #tpu.memory_space<vmem_shared>> -> memref<10112x128xf32, #tpu.memory_space<vmem_shared>>
        tpu.enqueue_indirect_dma source(%arg14 : memref<128x128xf32, #tpu.memory_space<vmem>>) target(%dma_start3A_319 : memref<10112x128xf32, #tpu.memory_space<vmem_shared>>) offsets(%dma_start3A_316 : memref<128xi32, #tpu.memory_space<vmem>>) semaphore(%run_scoped3A_313 : memref<!tpu.dma_semaphore, #tpu.memory_space<semaphore_mem>>) {add = true}
        %dma_wait3A_320 = arith.constant 0 : i32
        %dma_wait3A_321 = tpu.memref_slice %arg12[%run_scoped3A_160, %dma_wait3A_320] : memref<8x128xi32, #tpu.memory_space<vmem>> -> memref<1x128xi32, #tpu.memory_space<vmem>>
        %dma_wait3A_322 = tpu.memref_squeeze %dma_wait3A_321 : memref<1x128xi32, #tpu.memory_space<vmem>> -> memref<128xi32, #tpu.memory_space<vmem>>
        %dma_wait3A_323 = arith.constant 0 : i32
        %dma_wait3A_324 = arith.constant 0 : i32
        %dma_wait3A_325 = tpu.memref_slice %arg16[%dma_wait3A_323, %dma_wait3A_324] : memref<10112x128xf32, #tpu.memory_space<vmem_shared>> -> memref<10112x128xf32, #tpu.memory_space<vmem_shared>>
        tpu.wait_indirect_dma semaphore(%run_scoped3A_313 : memref<!tpu.dma_semaphore, #tpu.memory_space<semaphore_mem>>) src(%arg14 : memref<128x128xf32, #tpu.memory_space<vmem>>) dst(%dma_wait3A_325 : memref<10112x128xf32, #tpu.memory_space<vmem_shared>>)
        tpu.yield
      }) : () -> ()
      %run_scoped3A_161 = arith.constant 6 : i32
      "tpu.region"() ({
        %run_scoped3A_313 = tpu.sem_alloc : memref<!tpu.dma_semaphore, #tpu.memory_space<semaphore_mem>>
        %dma_start3A_314 = arith.constant 0 : i32
        %dma_start3A_315 = tpu.memref_slice %arg12[%run_scoped3A_161, %dma_start3A_314] : memref<8x128xi32, #tpu.memory_space<vmem>> -> memref<1x128xi32, #tpu.memory_space<vmem>>
        %dma_start3A_316 = tpu.memref_squeeze %dma_start3A_315 : memref<1x128xi32, #tpu.memory_space<vmem>> -> memref<128xi32, #tpu.memory_space<vmem>>
        %dma_start3A_317 = arith.constant 0 : i32
        %dma_start3A_318 = arith.constant 0 : i32
        %dma_start3A_319 = tpu.memref_slice %arg22[%dma_start3A_317, %dma_start3A_318] : memref<10112x16xf32, #tpu.memory_space<vmem_shared>> -> memref<10112x16xf32, #tpu.memory_space<vmem_shared>>
        tpu.enqueue_indirect_dma source(%arg21 : memref<128x16xf32, #tpu.memory_space<vmem>>) target(%dma_start3A_319 : memref<10112x16xf32, #tpu.memory_space<vmem_shared>>) offsets(%dma_start3A_316 : memref<128xi32, #tpu.memory_space<vmem>>) semaphore(%run_scoped3A_313 : memref<!tpu.dma_semaphore, #tpu.memory_space<semaphore_mem>>) {add = true}
        %dma_wait3A_320 = arith.constant 0 : i32
        %dma_wait3A_321 = tpu.memref_slice %arg12[%run_scoped3A_161, %dma_wait3A_320] : memref<8x128xi32, #tpu.memory_space<vmem>> -> memref<1x128xi32, #tpu.memory_space<vmem>>
        %dma_wait3A_322 = tpu.memref_squeeze %dma_wait3A_321 : memref<1x128xi32, #tpu.memory_space<vmem>> -> memref<128xi32, #tpu.memory_space<vmem>>
        %dma_wait3A_323 = arith.constant 0 : i32
        %dma_wait3A_324 = arith.constant 0 : i32
        %dma_wait3A_325 = tpu.memref_slice %arg22[%dma_wait3A_323, %dma_wait3A_324] : memref<10112x16xf32, #tpu.memory_space<vmem_shared>> -> memref<10112x16xf32, #tpu.memory_space<vmem_shared>>
        tpu.wait_indirect_dma semaphore(%run_scoped3A_313 : memref<!tpu.dma_semaphore, #tpu.memory_space<semaphore_mem>>) src(%arg21 : memref<128x16xf32, #tpu.memory_space<vmem>>) dst(%dma_wait3A_325 : memref<10112x16xf32, #tpu.memory_space<vmem_shared>>)
        tpu.yield
      }) : () -> ()
      %lt3A = arith.constant 9 : i32
      %lt3A_162 = arith.cmpi slt, %mul3A_50, %lt3A : i32
      %convert_element_type3A = arith.extui %lt3A_162 : i1 to i32
      %cond3A = arith.constant 0 : i32
      %cond3A_163 = arith.cmpi ne, %convert_element_type3A, %cond3A : i32
      scf.if %cond3A_163 {
        %dma_wait3A_313 = arith.constant 0 : i32
        %dma_wait3A_314 = tpu.memref_slice %arg3[%add3A, %dma_wait3A_313] : memref<2560x128xi32, #tpu.memory_space<hbm>> -> memref<8x128xi32, #tpu.memory_space<hbm>>
        %dma_wait3A_315 = arith.constant 0 : i32
        %dma_wait3A_316 = tpu.memref_slice %arg3[%add3A, %dma_wait3A_315] : memref<2560x128xi32, #tpu.memory_space<hbm>> -> memref<8x128xi32, #tpu.memory_space<hbm>>
        tpu.wait_dma2 semaphore(%arg20 : memref<!tpu.dma_semaphore, #tpu.memory_space<semaphore_mem>>) src(%dma_wait3A_316 : memref<8x128xi32, #tpu.memory_space<hbm>>) dst(%arg11 : memref<8x128xi32, #tpu.memory_space<vmem>>)
        %dma_wait3A_317 = arith.constant 0 : i32
        %dma_wait3A_318 = tpu.memref_slice %arg4[%add3A, %dma_wait3A_317] : memref<2560x128xi32, #tpu.memory_space<hbm>> -> memref<8x128xi32, #tpu.memory_space<hbm>>
        %dma_wait3A_319 = arith.constant 0 : i32
        %dma_wait3A_320 = tpu.memref_slice %arg4[%add3A, %dma_wait3A_319] : memref<2560x128xi32, #tpu.memory_space<hbm>> -> memref<8x128xi32, #tpu.memory_space<hbm>>
        tpu.wait_dma2 semaphore(%arg20 : memref<!tpu.dma_semaphore, #tpu.memory_space<semaphore_mem>>) src(%dma_wait3A_320 : memref<8x128xi32, #tpu.memory_space<hbm>>) dst(%arg13 : memref<8x128xi32, #tpu.memory_space<vmem>>)
        %dma_start3A_321 = arith.constant 0 : i32
        %dma_start3A_322 = arith.constant 0 : i32
        %dma_start3A_323 = tpu.memref_slice %arg11[%dma_start3A_321, %dma_start3A_322] : memref<8x128xi32, #tpu.memory_space<vmem>> -> memref<1x128xi32, #tpu.memory_space<vmem>>
        %dma_start3A_324 = tpu.memref_squeeze %dma_start3A_323 : memref<1x128xi32, #tpu.memory_space<vmem>> -> memref<128xi32, #tpu.memory_space<vmem>>
        %dma_start3A_325 = arith.constant 0 : i32
        %dma_start3A_326 = arith.constant 0 : i32
        %dma_start3A_327 = tpu.memref_slice %arg2[%dma_start3A_325, %dma_start3A_326] : memref<10000x128xf32, #tpu.memory_space<hbm>> -> memref<10000x128xf32, #tpu.memory_space<hbm>>
        tpu.enqueue_indirect_dma source(%dma_start3A_327 : memref<10000x128xf32, #tpu.memory_space<hbm>>) target(%arg14 : memref<128x128xf32, #tpu.memory_space<vmem>>) offsets(%dma_start3A_324 : memref<128xi32, #tpu.memory_space<vmem>>) semaphore(%arg17 : memref<!tpu.dma_semaphore, #tpu.memory_space<semaphore_mem>>)
      } else {
      }
      %dma_wait3A_164 = arith.constant 7 : i32
      %dma_wait3A_165 = arith.constant 0 : i32
      %dma_wait3A_166 = tpu.memref_slice %arg10[%dma_wait3A_164, %dma_wait3A_165] : memref<8x128xi32, #tpu.memory_space<vmem>> -> memref<1x128xi32, #tpu.memory_space<vmem>>
      %dma_wait3A_167 = tpu.memref_squeeze %dma_wait3A_166 : memref<1x128xi32, #tpu.memory_space<vmem>> -> memref<128xi32, #tpu.memory_space<vmem>>
      %dma_wait3A_168 = arith.constant 0 : i32
      %dma_wait3A_169 = arith.constant 0 : i32
      %dma_wait3A_170 = tpu.memref_slice %arg2[%dma_wait3A_168, %dma_wait3A_169] : memref<10000x128xf32, #tpu.memory_space<hbm>> -> memref<10000x128xf32, #tpu.memory_space<hbm>>
      tpu.wait_indirect_dma semaphore(%arg18 : memref<!tpu.dma_semaphore, #tpu.memory_space<semaphore_mem>>) src(%dma_wait3A_170 : memref<10000x128xf32, #tpu.memory_space<hbm>>) dst(%arg15 : memref<128x128xf32, #tpu.memory_space<vmem>>)
      %run_scoped3A_171 = arith.constant 7 : i32
      "tpu.region"() ({
        %run_scoped3A_313 = tpu.sem_alloc : memref<!tpu.dma_semaphore, #tpu.memory_space<semaphore_mem>>
        %dma_start3A_314 = arith.constant 0 : i32
        %dma_start3A_315 = tpu.memref_slice %arg12[%run_scoped3A_171, %dma_start3A_314] : memref<8x128xi32, #tpu.memory_space<vmem>> -> memref<1x128xi32, #tpu.memory_space<vmem>>
        %dma_start3A_316 = tpu.memref_squeeze %dma_start3A_315 : memref<1x128xi32, #tpu.memory_space<vmem>> -> memref<128xi32, #tpu.memory_space<vmem>>
        %dma_start3A_317 = arith.constant 0 : i32
        %dma_start3A_318 = arith.constant 0 : i32
        %dma_start3A_319 = tpu.memref_slice %arg16[%dma_start3A_317, %dma_start3A_318] : memref<10112x128xf32, #tpu.memory_space<vmem_shared>> -> memref<10112x128xf32, #tpu.memory_space<vmem_shared>>
        tpu.enqueue_indirect_dma source(%arg15 : memref<128x128xf32, #tpu.memory_space<vmem>>) target(%dma_start3A_319 : memref<10112x128xf32, #tpu.memory_space<vmem_shared>>) offsets(%dma_start3A_316 : memref<128xi32, #tpu.memory_space<vmem>>) semaphore(%run_scoped3A_313 : memref<!tpu.dma_semaphore, #tpu.memory_space<semaphore_mem>>) {add = true}
        %dma_wait3A_320 = arith.constant 0 : i32
        %dma_wait3A_321 = tpu.memref_slice %arg12[%run_scoped3A_171, %dma_wait3A_320] : memref<8x128xi32, #tpu.memory_space<vmem>> -> memref<1x128xi32, #tpu.memory_space<vmem>>
        %dma_wait3A_322 = tpu.memref_squeeze %dma_wait3A_321 : memref<1x128xi32, #tpu.memory_space<vmem>> -> memref<128xi32, #tpu.memory_space<vmem>>
        %dma_wait3A_323 = arith.constant 0 : i32
        %dma_wait3A_324 = arith.constant 0 : i32
        %dma_wait3A_325 = tpu.memref_slice %arg16[%dma_wait3A_323, %dma_wait3A_324] : memref<10112x128xf32, #tpu.memory_space<vmem_shared>> -> memref<10112x128xf32, #tpu.memory_space<vmem_shared>>
        tpu.wait_indirect_dma semaphore(%run_scoped3A_313 : memref<!tpu.dma_semaphore, #tpu.memory_space<semaphore_mem>>) src(%arg15 : memref<128x128xf32, #tpu.memory_space<vmem>>) dst(%dma_wait3A_325 : memref<10112x128xf32, #tpu.memory_space<vmem_shared>>)
        tpu.yield
      }) : () -> ()
      %run_scoped3A_172 = arith.constant 7 : i32
      "tpu.region"() ({
        %run_scoped3A_313 = tpu.sem_alloc : memref<!tpu.dma_semaphore, #tpu.memory_space<semaphore_mem>>
        %dma_start3A_314 = arith.constant 0 : i32
        %dma_start3A_315 = tpu.memref_slice %arg12[%run_scoped3A_172, %dma_start3A_314] : memref<8x128xi32, #tpu.memory_space<vmem>> -> memref<1x128xi32, #tpu.memory_space<vmem>>
        %dma_start3A_316 = tpu.memref_squeeze %dma_start3A_315 : memref<1x128xi32, #tpu.memory_space<vmem>> -> memref<128xi32, #tpu.memory_space<vmem>>
        %dma_start3A_317 = arith.constant 0 : i32
        %dma_start3A_318 = arith.constant 0 : i32
        %dma_start3A_319 = tpu.memref_slice %arg22[%dma_start3A_317, %dma_start3A_318] : memref<10112x16xf32, #tpu.memory_space<vmem_shared>> -> memref<10112x16xf32, #tpu.memory_space<vmem_shared>>
        tpu.enqueue_indirect_dma source(%arg21 : memref<128x16xf32, #tpu.memory_space<vmem>>) target(%dma_start3A_319 : memref<10112x16xf32, #tpu.memory_space<vmem_shared>>) offsets(%dma_start3A_316 : memref<128xi32, #tpu.memory_space<vmem>>) semaphore(%run_scoped3A_313 : memref<!tpu.dma_semaphore, #tpu.memory_space<semaphore_mem>>) {add = true}
        %dma_wait3A_320 = arith.constant 0 : i32
        %dma_wait3A_321 = tpu.memref_slice %arg12[%run_scoped3A_172, %dma_wait3A_320] : memref<8x128xi32, #tpu.memory_space<vmem>> -> memref<1x128xi32, #tpu.memory_space<vmem>>
        %dma_wait3A_322 = tpu.memref_squeeze %dma_wait3A_321 : memref<1x128xi32, #tpu.memory_space<vmem>> -> memref<128xi32, #tpu.memory_space<vmem>>
        %dma_wait3A_323 = arith.constant 0 : i32
        %dma_wait3A_324 = arith.constant 0 : i32
        %dma_wait3A_325 = tpu.memref_slice %arg22[%dma_wait3A_323, %dma_wait3A_324] : memref<10112x16xf32, #tpu.memory_space<vmem_shared>> -> memref<10112x16xf32, #tpu.memory_space<vmem_shared>>
        tpu.wait_indirect_dma semaphore(%run_scoped3A_313 : memref<!tpu.dma_semaphore, #tpu.memory_space<semaphore_mem>>) src(%arg21 : memref<128x16xf32, #tpu.memory_space<vmem>>) dst(%dma_wait3A_325 : memref<10112x16xf32, #tpu.memory_space<vmem_shared>>)
        tpu.yield
      }) : () -> ()
      %lt3A_173 = arith.constant 8 : i32
      %lt3A_174 = arith.cmpi slt, %mul3A_50, %lt3A_173 : i32
      %convert_element_type3A_175 = arith.extui %lt3A_174 : i1 to i32
      %cond3A_176 = arith.constant 0 : i32
      %cond3A_177 = arith.cmpi ne, %convert_element_type3A_175, %cond3A_176 : i32
      scf.if %cond3A_177 {
        %add3A_313 = arith.constant 2 : i32
        %add3A_314 = arith.addi %mul3A_50, %add3A_313 : i32
        %mul3A_315 = arith.constant 8 : i32
        %mul3A_316 = arith.muli %add3A_314, %mul3A_315 : i32
        %add3A_317 = arith.addi %add3A, %mul3A_316 : i32
        %dma_start3A_318 = arith.constant 0 : i32
        %dma_start3A_319 = tpu.memref_slice %arg3[%add3A_317, %dma_start3A_318] : memref<2560x128xi32, #tpu.memory_space<hbm>> -> memref<8x128xi32, #tpu.memory_space<hbm>>
        %dma_start3A_320 = arith.constant 0 : i32
        %dma_start3A_321 = tpu.memref_slice %arg3[%add3A_317, %dma_start3A_320] : memref<2560x128xi32, #tpu.memory_space<hbm>> -> memref<8x128xi32, #tpu.memory_space<hbm>>
        tpu.enqueue_dma source(%dma_start3A_321 : memref<8x128xi32, #tpu.memory_space<hbm>>) target(%arg10 : memref<8x128xi32, #tpu.memory_space<vmem>>) target_semaphore(%arg19 : memref<!tpu.dma_semaphore, #tpu.memory_space<semaphore_mem>>)
        %mul3A_322 = arith.constant 8 : i32
        %mul3A_323 = arith.muli %add3A_314, %mul3A_322 : i32
        %add3A_324 = arith.addi %add3A, %mul3A_323 : i32
        %dma_start3A_325 = arith.constant 0 : i32
        %dma_start3A_326 = tpu.memref_slice %arg4[%add3A_324, %dma_start3A_325] : memref<2560x128xi32, #tpu.memory_space<hbm>> -> memref<8x128xi32, #tpu.memory_space<hbm>>
        %dma_start3A_327 = arith.constant 0 : i32
        %dma_start3A_328 = tpu.memref_slice %arg4[%add3A_324, %dma_start3A_327] : memref<2560x128xi32, #tpu.memory_space<hbm>> -> memref<8x128xi32, #tpu.memory_space<hbm>>
        tpu.enqueue_dma source(%dma_start3A_328 : memref<8x128xi32, #tpu.memory_space<hbm>>) target(%arg12 : memref<8x128xi32, #tpu.memory_space<vmem>>) target_semaphore(%arg19 : memref<!tpu.dma_semaphore, #tpu.memory_space<semaphore_mem>>)
      } else {
      }
      %mul3A_178 = arith.constant 2 : i32
      %mul3A_179 = arith.muli %mul3A_178, %scan3A_48 : i32
      %add3A_180 = arith.constant 1 : i32
      %add3A_181 = arith.addi %mul3A_179, %add3A_180 : i32
      %dma_start3A_182 = arith.constant 1 : i32
      %dma_start3A_183 = arith.constant 0 : i32
      %dma_start3A_184 = tpu.memref_slice %arg11[%dma_start3A_182, %dma_start3A_183] : memref<8x128xi32, #tpu.memory_space<vmem>> -> memref<1x128xi32, #tpu.memory_space<vmem>>
      %dma_start3A_185 = tpu.memref_squeeze %dma_start3A_184 : memref<1x128xi32, #tpu.memory_space<vmem>> -> memref<128xi32, #tpu.memory_space<vmem>>
      %dma_start3A_186 = arith.constant 0 : i32
      %dma_start3A_187 = arith.constant 0 : i32
      %dma_start3A_188 = tpu.memref_slice %arg2[%dma_start3A_186, %dma_start3A_187] : memref<10000x128xf32, #tpu.memory_space<hbm>> -> memref<10000x128xf32, #tpu.memory_space<hbm>>
      tpu.enqueue_indirect_dma source(%dma_start3A_188 : memref<10000x128xf32, #tpu.memory_space<hbm>>) target(%arg15 : memref<128x128xf32, #tpu.memory_space<vmem>>) offsets(%dma_start3A_185 : memref<128xi32, #tpu.memory_space<vmem>>) semaphore(%arg18 : memref<!tpu.dma_semaphore, #tpu.memory_space<semaphore_mem>>)
      %dma_wait3A_189 = arith.constant 0 : i32
      %dma_wait3A_190 = arith.constant 0 : i32
      %dma_wait3A_191 = tpu.memref_slice %arg11[%dma_wait3A_189, %dma_wait3A_190] : memref<8x128xi32, #tpu.memory_space<vmem>> -> memref<1x128xi32, #tpu.memory_space<vmem>>
      %dma_wait3A_192 = tpu.memref_squeeze %dma_wait3A_191 : memref<1x128xi32, #tpu.memory_space<vmem>> -> memref<128xi32, #tpu.memory_space<vmem>>
      %dma_wait3A_193 = arith.constant 0 : i32
      %dma_wait3A_194 = arith.constant 0 : i32
      %dma_wait3A_195 = tpu.memref_slice %arg2[%dma_wait3A_193, %dma_wait3A_194] : memref<10000x128xf32, #tpu.memory_space<hbm>> -> memref<10000x128xf32, #tpu.memory_space<hbm>>
      tpu.wait_indirect_dma semaphore(%arg17 : memref<!tpu.dma_semaphore, #tpu.memory_space<semaphore_mem>>) src(%dma_wait3A_195 : memref<10000x128xf32, #tpu.memory_space<hbm>>) dst(%arg14 : memref<128x128xf32, #tpu.memory_space<vmem>>)
      %run_scoped3A_196 = arith.constant 0 : i32
      "tpu.region"() ({
        %run_scoped3A_313 = tpu.sem_alloc : memref<!tpu.dma_semaphore, #tpu.memory_space<semaphore_mem>>
        %dma_start3A_314 = arith.constant 0 : i32
        %dma_start3A_315 = tpu.memref_slice %arg13[%run_scoped3A_196, %dma_start3A_314] : memref<8x128xi32, #tpu.memory_space<vmem>> -> memref<1x128xi32, #tpu.memory_space<vmem>>
        %dma_start3A_316 = tpu.memref_squeeze %dma_start3A_315 : memref<1x128xi32, #tpu.memory_space<vmem>> -> memref<128xi32, #tpu.memory_space<vmem>>
        %dma_start3A_317 = arith.constant 0 : i32
        %dma_start3A_318 = arith.constant 0 : i32
        %dma_start3A_319 = tpu.memref_slice %arg16[%dma_start3A_317, %dma_start3A_318] : memref<10112x128xf32, #tpu.memory_space<vmem_shared>> -> memref<10112x128xf32, #tpu.memory_space<vmem_shared>>
        tpu.enqueue_indirect_dma source(%arg14 : memref<128x128xf32, #tpu.memory_space<vmem>>) target(%dma_start3A_319 : memref<10112x128xf32, #tpu.memory_space<vmem_shared>>) offsets(%dma_start3A_316 : memref<128xi32, #tpu.memory_space<vmem>>) semaphore(%run_scoped3A_313 : memref<!tpu.dma_semaphore, #tpu.memory_space<semaphore_mem>>) {add = true}
        %dma_wait3A_320 = arith.constant 0 : i32
        %dma_wait3A_321 = tpu.memref_slice %arg13[%run_scoped3A_196, %dma_wait3A_320] : memref<8x128xi32, #tpu.memory_space<vmem>> -> memref<1x128xi32, #tpu.memory_space<vmem>>
        %dma_wait3A_322 = tpu.memref_squeeze %dma_wait3A_321 : memref<1x128xi32, #tpu.memory_space<vmem>> -> memref<128xi32, #tpu.memory_space<vmem>>
        %dma_wait3A_323 = arith.constant 0 : i32
        %dma_wait3A_324 = arith.constant 0 : i32
        %dma_wait3A_325 = tpu.memref_slice %arg16[%dma_wait3A_323, %dma_wait3A_324] : memref<10112x128xf32, #tpu.memory_space<vmem_shared>> -> memref<10112x128xf32, #tpu.memory_space<vmem_shared>>
        tpu.wait_indirect_dma semaphore(%run_scoped3A_313 : memref<!tpu.dma_semaphore, #tpu.memory_space<semaphore_mem>>) src(%arg14 : memref<128x128xf32, #tpu.memory_space<vmem>>) dst(%dma_wait3A_325 : memref<10112x128xf32, #tpu.memory_space<vmem_shared>>)
        tpu.yield
      }) : () -> ()
      %run_scoped3A_197 = arith.constant 0 : i32
      "tpu.region"() ({
        %run_scoped3A_313 = tpu.sem_alloc : memref<!tpu.dma_semaphore, #tpu.memory_space<semaphore_mem>>
        %dma_start3A_314 = arith.constant 0 : i32
        %dma_start3A_315 = tpu.memref_slice %arg13[%run_scoped3A_197, %dma_start3A_314] : memref<8x128xi32, #tpu.memory_space<vmem>> -> memref<1x128xi32, #tpu.memory_space<vmem>>
        %dma_start3A_316 = tpu.memref_squeeze %dma_start3A_315 : memref<1x128xi32, #tpu.memory_space<vmem>> -> memref<128xi32, #tpu.memory_space<vmem>>
        %dma_start3A_317 = arith.constant 0 : i32
        %dma_start3A_318 = arith.constant 0 : i32
        %dma_start3A_319 = tpu.memref_slice %arg22[%dma_start3A_317, %dma_start3A_318] : memref<10112x16xf32, #tpu.memory_space<vmem_shared>> -> memref<10112x16xf32, #tpu.memory_space<vmem_shared>>
        tpu.enqueue_indirect_dma source(%arg21 : memref<128x16xf32, #tpu.memory_space<vmem>>) target(%dma_start3A_319 : memref<10112x16xf32, #tpu.memory_space<vmem_shared>>) offsets(%dma_start3A_316 : memref<128xi32, #tpu.memory_space<vmem>>) semaphore(%run_scoped3A_313 : memref<!tpu.dma_semaphore, #tpu.memory_space<semaphore_mem>>) {add = true}
        %dma_wait3A_320 = arith.constant 0 : i32
        %dma_wait3A_321 = tpu.memref_slice %arg13[%run_scoped3A_197, %dma_wait3A_320] : memref<8x128xi32, #tpu.memory_space<vmem>> -> memref<1x128xi32, #tpu.memory_space<vmem>>
        %dma_wait3A_322 = tpu.memref_squeeze %dma_wait3A_321 : memref<1x128xi32, #tpu.memory_space<vmem>> -> memref<128xi32, #tpu.memory_space<vmem>>
        %dma_wait3A_323 = arith.constant 0 : i32
        %dma_wait3A_324 = arith.constant 0 : i32
        %dma_wait3A_325 = tpu.memref_slice %arg22[%dma_wait3A_323, %dma_wait3A_324] : memref<10112x16xf32, #tpu.memory_space<vmem_shared>> -> memref<10112x16xf32, #tpu.memory_space<vmem_shared>>
        tpu.wait_indirect_dma semaphore(%run_scoped3A_313 : memref<!tpu.dma_semaphore, #tpu.memory_space<semaphore_mem>>) src(%arg21 : memref<128x16xf32, #tpu.memory_space<vmem>>) dst(%dma_wait3A_325 : memref<10112x16xf32, #tpu.memory_space<vmem_shared>>)
        tpu.yield
      }) : () -> ()
      %dma_start3A_198 = arith.constant 2 : i32
      %dma_start3A_199 = arith.constant 0 : i32
      %dma_start3A_200 = tpu.memref_slice %arg11[%dma_start3A_198, %dma_start3A_199] : memref<8x128xi32, #tpu.memory_space<vmem>> -> memref<1x128xi32, #tpu.memory_space<vmem>>
      %dma_start3A_201 = tpu.memref_squeeze %dma_start3A_200 : memref<1x128xi32, #tpu.memory_space<vmem>> -> memref<128xi32, #tpu.memory_space<vmem>>
      %dma_start3A_202 = arith.constant 0 : i32
      %dma_start3A_203 = arith.constant 0 : i32
      %dma_start3A_204 = tpu.memref_slice %arg2[%dma_start3A_202, %dma_start3A_203] : memref<10000x128xf32, #tpu.memory_space<hbm>> -> memref<10000x128xf32, #tpu.memory_space<hbm>>
      tpu.enqueue_indirect_dma source(%dma_start3A_204 : memref<10000x128xf32, #tpu.memory_space<hbm>>) target(%arg14 : memref<128x128xf32, #tpu.memory_space<vmem>>) offsets(%dma_start3A_201 : memref<128xi32, #tpu.memory_space<vmem>>) semaphore(%arg17 : memref<!tpu.dma_semaphore, #tpu.memory_space<semaphore_mem>>)
      %dma_wait3A_205 = arith.constant 1 : i32
      %dma_wait3A_206 = arith.constant 0 : i32
      %dma_wait3A_207 = tpu.memref_slice %arg11[%dma_wait3A_205, %dma_wait3A_206] : memref<8x128xi32, #tpu.memory_space<vmem>> -> memref<1x128xi32, #tpu.memory_space<vmem>>
      %dma_wait3A_208 = tpu.memref_squeeze %dma_wait3A_207 : memref<1x128xi32, #tpu.memory_space<vmem>> -> memref<128xi32, #tpu.memory_space<vmem>>
      %dma_wait3A_209 = arith.constant 0 : i32
      %dma_wait3A_210 = arith.constant 0 : i32
      %dma_wait3A_211 = tpu.memref_slice %arg2[%dma_wait3A_209, %dma_wait3A_210] : memref<10000x128xf32, #tpu.memory_space<hbm>> -> memref<10000x128xf32, #tpu.memory_space<hbm>>
      tpu.wait_indirect_dma semaphore(%arg18 : memref<!tpu.dma_semaphore, #tpu.memory_space<semaphore_mem>>) src(%dma_wait3A_211 : memref<10000x128xf32, #tpu.memory_space<hbm>>) dst(%arg15 : memref<128x128xf32, #tpu.memory_space<vmem>>)
      %run_scoped3A_212 = arith.constant 1 : i32
      "tpu.region"() ({
        %run_scoped3A_313 = tpu.sem_alloc : memref<!tpu.dma_semaphore, #tpu.memory_space<semaphore_mem>>
        %dma_start3A_314 = arith.constant 0 : i32
        %dma_start3A_315 = tpu.memref_slice %arg13[%run_scoped3A_212, %dma_start3A_314] : memref<8x128xi32, #tpu.memory_space<vmem>> -> memref<1x128xi32, #tpu.memory_space<vmem>>
        %dma_start3A_316 = tpu.memref_squeeze %dma_start3A_315 : memref<1x128xi32, #tpu.memory_space<vmem>> -> memref<128xi32, #tpu.memory_space<vmem>>
        %dma_start3A_317 = arith.constant 0 : i32
        %dma_start3A_318 = arith.constant 0 : i32
        %dma_start3A_319 = tpu.memref_slice %arg16[%dma_start3A_317, %dma_start3A_318] : memref<10112x128xf32, #tpu.memory_space<vmem_shared>> -> memref<10112x128xf32, #tpu.memory_space<vmem_shared>>
        tpu.enqueue_indirect_dma source(%arg15 : memref<128x128xf32, #tpu.memory_space<vmem>>) target(%dma_start3A_319 : memref<10112x128xf32, #tpu.memory_space<vmem_shared>>) offsets(%dma_start3A_316 : memref<128xi32, #tpu.memory_space<vmem>>) semaphore(%run_scoped3A_313 : memref<!tpu.dma_semaphore, #tpu.memory_space<semaphore_mem>>) {add = true}
        %dma_wait3A_320 = arith.constant 0 : i32
        %dma_wait3A_321 = tpu.memref_slice %arg13[%run_scoped3A_212, %dma_wait3A_320] : memref<8x128xi32, #tpu.memory_space<vmem>> -> memref<1x128xi32, #tpu.memory_space<vmem>>
        %dma_wait3A_322 = tpu.memref_squeeze %dma_wait3A_321 : memref<1x128xi32, #tpu.memory_space<vmem>> -> memref<128xi32, #tpu.memory_space<vmem>>
        %dma_wait3A_323 = arith.constant 0 : i32
        %dma_wait3A_324 = arith.constant 0 : i32
        %dma_wait3A_325 = tpu.memref_slice %arg16[%dma_wait3A_323, %dma_wait3A_324] : memref<10112x128xf32, #tpu.memory_space<vmem_shared>> -> memref<10112x128xf32, #tpu.memory_space<vmem_shared>>
        tpu.wait_indirect_dma semaphore(%run_scoped3A_313 : memref<!tpu.dma_semaphore, #tpu.memory_space<semaphore_mem>>) src(%arg15 : memref<128x128xf32, #tpu.memory_space<vmem>>) dst(%dma_wait3A_325 : memref<10112x128xf32, #tpu.memory_space<vmem_shared>>)
        tpu.yield
      }) : () -> ()
      %run_scoped3A_213 = arith.constant 1 : i32
      "tpu.region"() ({
        %run_scoped3A_313 = tpu.sem_alloc : memref<!tpu.dma_semaphore, #tpu.memory_space<semaphore_mem>>
        %dma_start3A_314 = arith.constant 0 : i32
        %dma_start3A_315 = tpu.memref_slice %arg13[%run_scoped3A_213, %dma_start3A_314] : memref<8x128xi32, #tpu.memory_space<vmem>> -> memref<1x128xi32, #tpu.memory_space<vmem>>
        %dma_start3A_316 = tpu.memref_squeeze %dma_start3A_315 : memref<1x128xi32, #tpu.memory_space<vmem>> -> memref<128xi32, #tpu.memory_space<vmem>>
        %dma_start3A_317 = arith.constant 0 : i32
        %dma_start3A_318 = arith.constant 0 : i32
        %dma_start3A_319 = tpu.memref_slice %arg22[%dma_start3A_317, %dma_start3A_318] : memref<10112x16xf32, #tpu.memory_space<vmem_shared>> -> memref<10112x16xf32, #tpu.memory_space<vmem_shared>>
        tpu.enqueue_indirect_dma source(%arg21 : memref<128x16xf32, #tpu.memory_space<vmem>>) target(%dma_start3A_319 : memref<10112x16xf32, #tpu.memory_space<vmem_shared>>) offsets(%dma_start3A_316 : memref<128xi32, #tpu.memory_space<vmem>>) semaphore(%run_scoped3A_313 : memref<!tpu.dma_semaphore, #tpu.memory_space<semaphore_mem>>) {add = true}
        %dma_wait3A_320 = arith.constant 0 : i32
        %dma_wait3A_321 = tpu.memref_slice %arg13[%run_scoped3A_213, %dma_wait3A_320] : memref<8x128xi32, #tpu.memory_space<vmem>> -> memref<1x128xi32, #tpu.memory_space<vmem>>
        %dma_wait3A_322 = tpu.memref_squeeze %dma_wait3A_321 : memref<1x128xi32, #tpu.memory_space<vmem>> -> memref<128xi32, #tpu.memory_space<vmem>>
        %dma_wait3A_323 = arith.constant 0 : i32
        %dma_wait3A_324 = arith.constant 0 : i32
        %dma_wait3A_325 = tpu.memref_slice %arg22[%dma_wait3A_323, %dma_wait3A_324] : memref<10112x16xf32, #tpu.memory_space<vmem_shared>> -> memref<10112x16xf32, #tpu.memory_space<vmem_shared>>
        tpu.wait_indirect_dma semaphore(%run_scoped3A_313 : memref<!tpu.dma_semaphore, #tpu.memory_space<semaphore_mem>>) src(%arg21 : memref<128x16xf32, #tpu.memory_space<vmem>>) dst(%dma_wait3A_325 : memref<10112x16xf32, #tpu.memory_space<vmem_shared>>)
        tpu.yield
      }) : () -> ()
      %dma_start3A_214 = arith.constant 3 : i32
      %dma_start3A_215 = arith.constant 0 : i32
      %dma_start3A_216 = tpu.memref_slice %arg11[%dma_start3A_214, %dma_start3A_215] : memref<8x128xi32, #tpu.memory_space<vmem>> -> memref<1x128xi32, #tpu.memory_space<vmem>>
      %dma_start3A_217 = tpu.memref_squeeze %dma_start3A_216 : memref<1x128xi32, #tpu.memory_space<vmem>> -> memref<128xi32, #tpu.memory_space<vmem>>
      %dma_start3A_218 = arith.constant 0 : i32
      %dma_start3A_219 = arith.constant 0 : i32
      %dma_start3A_220 = tpu.memref_slice %arg2[%dma_start3A_218, %dma_start3A_219] : memref<10000x128xf32, #tpu.memory_space<hbm>> -> memref<10000x128xf32, #tpu.memory_space<hbm>>
      tpu.enqueue_indirect_dma source(%dma_start3A_220 : memref<10000x128xf32, #tpu.memory_space<hbm>>) target(%arg15 : memref<128x128xf32, #tpu.memory_space<vmem>>) offsets(%dma_start3A_217 : memref<128xi32, #tpu.memory_space<vmem>>) semaphore(%arg18 : memref<!tpu.dma_semaphore, #tpu.memory_space<semaphore_mem>>)
      %dma_wait3A_221 = arith.constant 2 : i32
      %dma_wait3A_222 = arith.constant 0 : i32
      %dma_wait3A_223 = tpu.memref_slice %arg11[%dma_wait3A_221, %dma_wait3A_222] : memref<8x128xi32, #tpu.memory_space<vmem>> -> memref<1x128xi32, #tpu.memory_space<vmem>>
      %dma_wait3A_224 = tpu.memref_squeeze %dma_wait3A_223 : memref<1x128xi32, #tpu.memory_space<vmem>> -> memref<128xi32, #tpu.memory_space<vmem>>
      %dma_wait3A_225 = arith.constant 0 : i32
      %dma_wait3A_226 = arith.constant 0 : i32
      %dma_wait3A_227 = tpu.memref_slice %arg2[%dma_wait3A_225, %dma_wait3A_226] : memref<10000x128xf32, #tpu.memory_space<hbm>> -> memref<10000x128xf32, #tpu.memory_space<hbm>>
      tpu.wait_indirect_dma semaphore(%arg17 : memref<!tpu.dma_semaphore, #tpu.memory_space<semaphore_mem>>) src(%dma_wait3A_227 : memref<10000x128xf32, #tpu.memory_space<hbm>>) dst(%arg14 : memref<128x128xf32, #tpu.memory_space<vmem>>)
      %run_scoped3A_228 = arith.constant 2 : i32
      "tpu.region"() ({
        %run_scoped3A_313 = tpu.sem_alloc : memref<!tpu.dma_semaphore, #tpu.memory_space<semaphore_mem>>
        %dma_start3A_314 = arith.constant 0 : i32
        %dma_start3A_315 = tpu.memref_slice %arg13[%run_scoped3A_228, %dma_start3A_314] : memref<8x128xi32, #tpu.memory_space<vmem>> -> memref<1x128xi32, #tpu.memory_space<vmem>>
        %dma_start3A_316 = tpu.memref_squeeze %dma_start3A_315 : memref<1x128xi32, #tpu.memory_space<vmem>> -> memref<128xi32, #tpu.memory_space<vmem>>
        %dma_start3A_317 = arith.constant 0 : i32
        %dma_start3A_318 = arith.constant 0 : i32
        %dma_start3A_319 = tpu.memref_slice %arg16[%dma_start3A_317, %dma_start3A_318] : memref<10112x128xf32, #tpu.memory_space<vmem_shared>> -> memref<10112x128xf32, #tpu.memory_space<vmem_shared>>
        tpu.enqueue_indirect_dma source(%arg14 : memref<128x128xf32, #tpu.memory_space<vmem>>) target(%dma_start3A_319 : memref<10112x128xf32, #tpu.memory_space<vmem_shared>>) offsets(%dma_start3A_316 : memref<128xi32, #tpu.memory_space<vmem>>) semaphore(%run_scoped3A_313 : memref<!tpu.dma_semaphore, #tpu.memory_space<semaphore_mem>>) {add = true}
        %dma_wait3A_320 = arith.constant 0 : i32
        %dma_wait3A_321 = tpu.memref_slice %arg13[%run_scoped3A_228, %dma_wait3A_320] : memref<8x128xi32, #tpu.memory_space<vmem>> -> memref<1x128xi32, #tpu.memory_space<vmem>>
        %dma_wait3A_322 = tpu.memref_squeeze %dma_wait3A_321 : memref<1x128xi32, #tpu.memory_space<vmem>> -> memref<128xi32, #tpu.memory_space<vmem>>
        %dma_wait3A_323 = arith.constant 0 : i32
        %dma_wait3A_324 = arith.constant 0 : i32
        %dma_wait3A_325 = tpu.memref_slice %arg16[%dma_wait3A_323, %dma_wait3A_324] : memref<10112x128xf32, #tpu.memory_space<vmem_shared>> -> memref<10112x128xf32, #tpu.memory_space<vmem_shared>>
        tpu.wait_indirect_dma semaphore(%run_scoped3A_313 : memref<!tpu.dma_semaphore, #tpu.memory_space<semaphore_mem>>) src(%arg14 : memref<128x128xf32, #tpu.memory_space<vmem>>) dst(%dma_wait3A_325 : memref<10112x128xf32, #tpu.memory_space<vmem_shared>>)
        tpu.yield
      }) : () -> ()
      %run_scoped3A_229 = arith.constant 2 : i32
      "tpu.region"() ({
        %run_scoped3A_313 = tpu.sem_alloc : memref<!tpu.dma_semaphore, #tpu.memory_space<semaphore_mem>>
        %dma_start3A_314 = arith.constant 0 : i32
        %dma_start3A_315 = tpu.memref_slice %arg13[%run_scoped3A_229, %dma_start3A_314] : memref<8x128xi32, #tpu.memory_space<vmem>> -> memref<1x128xi32, #tpu.memory_space<vmem>>
        %dma_start3A_316 = tpu.memref_squeeze %dma_start3A_315 : memref<1x128xi32, #tpu.memory_space<vmem>> -> memref<128xi32, #tpu.memory_space<vmem>>
        %dma_start3A_317 = arith.constant 0 : i32
        %dma_start3A_318 = arith.constant 0 : i32
        %dma_start3A_319 = tpu.memref_slice %arg22[%dma_start3A_317, %dma_start3A_318] : memref<10112x16xf32, #tpu.memory_space<vmem_shared>> -> memref<10112x16xf32, #tpu.memory_space<vmem_shared>>
        tpu.enqueue_indirect_dma source(%arg21 : memref<128x16xf32, #tpu.memory_space<vmem>>) target(%dma_start3A_319 : memref<10112x16xf32, #tpu.memory_space<vmem_shared>>) offsets(%dma_start3A_316 : memref<128xi32, #tpu.memory_space<vmem>>) semaphore(%run_scoped3A_313 : memref<!tpu.dma_semaphore, #tpu.memory_space<semaphore_mem>>) {add = true}
        %dma_wait3A_320 = arith.constant 0 : i32
        %dma_wait3A_321 = tpu.memref_slice %arg13[%run_scoped3A_229, %dma_wait3A_320] : memref<8x128xi32, #tpu.memory_space<vmem>> -> memref<1x128xi32, #tpu.memory_space<vmem>>
        %dma_wait3A_322 = tpu.memref_squeeze %dma_wait3A_321 : memref<1x128xi32, #tpu.memory_space<vmem>> -> memref<128xi32, #tpu.memory_space<vmem>>
        %dma_wait3A_323 = arith.constant 0 : i32
        %dma_wait3A_324 = arith.constant 0 : i32
        %dma_wait3A_325 = tpu.memref_slice %arg22[%dma_wait3A_323, %dma_wait3A_324] : memref<10112x16xf32, #tpu.memory_space<vmem_shared>> -> memref<10112x16xf32, #tpu.memory_space<vmem_shared>>
        tpu.wait_indirect_dma semaphore(%run_scoped3A_313 : memref<!tpu.dma_semaphore, #tpu.memory_space<semaphore_mem>>) src(%arg21 : memref<128x16xf32, #tpu.memory_space<vmem>>) dst(%dma_wait3A_325 : memref<10112x16xf32, #tpu.memory_space<vmem_shared>>)
        tpu.yield
      }) : () -> ()
      %dma_start3A_230 = arith.constant 4 : i32
      %dma_start3A_231 = arith.constant 0 : i32
      %dma_start3A_232 = tpu.memref_slice %arg11[%dma_start3A_230, %dma_start3A_231] : memref<8x128xi32, #tpu.memory_space<vmem>> -> memref<1x128xi32, #tpu.memory_space<vmem>>
      %dma_start3A_233 = tpu.memref_squeeze %dma_start3A_232 : memref<1x128xi32, #tpu.memory_space<vmem>> -> memref<128xi32, #tpu.memory_space<vmem>>
      %dma_start3A_234 = arith.constant 0 : i32
      %dma_start3A_235 = arith.constant 0 : i32
      %dma_start3A_236 = tpu.memref_slice %arg2[%dma_start3A_234, %dma_start3A_235] : memref<10000x128xf32, #tpu.memory_space<hbm>> -> memref<10000x128xf32, #tpu.memory_space<hbm>>
      tpu.enqueue_indirect_dma source(%dma_start3A_236 : memref<10000x128xf32, #tpu.memory_space<hbm>>) target(%arg14 : memref<128x128xf32, #tpu.memory_space<vmem>>) offsets(%dma_start3A_233 : memref<128xi32, #tpu.memory_space<vmem>>) semaphore(%arg17 : memref<!tpu.dma_semaphore, #tpu.memory_space<semaphore_mem>>)
      %dma_wait3A_237 = arith.constant 3 : i32
      %dma_wait3A_238 = arith.constant 0 : i32
      %dma_wait3A_239 = tpu.memref_slice %arg11[%dma_wait3A_237, %dma_wait3A_238] : memref<8x128xi32, #tpu.memory_space<vmem>> -> memref<1x128xi32, #tpu.memory_space<vmem>>
      %dma_wait3A_240 = tpu.memref_squeeze %dma_wait3A_239 : memref<1x128xi32, #tpu.memory_space<vmem>> -> memref<128xi32, #tpu.memory_space<vmem>>
      %dma_wait3A_241 = arith.constant 0 : i32
      %dma_wait3A_242 = arith.constant 0 : i32
      %dma_wait3A_243 = tpu.memref_slice %arg2[%dma_wait3A_241, %dma_wait3A_242] : memref<10000x128xf32, #tpu.memory_space<hbm>> -> memref<10000x128xf32, #tpu.memory_space<hbm>>
      tpu.wait_indirect_dma semaphore(%arg18 : memref<!tpu.dma_semaphore, #tpu.memory_space<semaphore_mem>>) src(%dma_wait3A_243 : memref<10000x128xf32, #tpu.memory_space<hbm>>) dst(%arg15 : memref<128x128xf32, #tpu.memory_space<vmem>>)
      %run_scoped3A_244 = arith.constant 3 : i32
      "tpu.region"() ({
        %run_scoped3A_313 = tpu.sem_alloc : memref<!tpu.dma_semaphore, #tpu.memory_space<semaphore_mem>>
        %dma_start3A_314 = arith.constant 0 : i32
        %dma_start3A_315 = tpu.memref_slice %arg13[%run_scoped3A_244, %dma_start3A_314] : memref<8x128xi32, #tpu.memory_space<vmem>> -> memref<1x128xi32, #tpu.memory_space<vmem>>
        %dma_start3A_316 = tpu.memref_squeeze %dma_start3A_315 : memref<1x128xi32, #tpu.memory_space<vmem>> -> memref<128xi32, #tpu.memory_space<vmem>>
        %dma_start3A_317 = arith.constant 0 : i32
        %dma_start3A_318 = arith.constant 0 : i32
        %dma_start3A_319 = tpu.memref_slice %arg16[%dma_start3A_317, %dma_start3A_318] : memref<10112x128xf32, #tpu.memory_space<vmem_shared>> -> memref<10112x128xf32, #tpu.memory_space<vmem_shared>>
        tpu.enqueue_indirect_dma source(%arg15 : memref<128x128xf32, #tpu.memory_space<vmem>>) target(%dma_start3A_319 : memref<10112x128xf32, #tpu.memory_space<vmem_shared>>) offsets(%dma_start3A_316 : memref<128xi32, #tpu.memory_space<vmem>>) semaphore(%run_scoped3A_313 : memref<!tpu.dma_semaphore, #tpu.memory_space<semaphore_mem>>) {add = true}
        %dma_wait3A_320 = arith.constant 0 : i32
        %dma_wait3A_321 = tpu.memref_slice %arg13[%run_scoped3A_244, %dma_wait3A_320] : memref<8x128xi32, #tpu.memory_space<vmem>> -> memref<1x128xi32, #tpu.memory_space<vmem>>
        %dma_wait3A_322 = tpu.memref_squeeze %dma_wait3A_321 : memref<1x128xi32, #tpu.memory_space<vmem>> -> memref<128xi32, #tpu.memory_space<vmem>>
        %dma_wait3A_323 = arith.constant 0 : i32
        %dma_wait3A_324 = arith.constant 0 : i32
        %dma_wait3A_325 = tpu.memref_slice %arg16[%dma_wait3A_323, %dma_wait3A_324] : memref<10112x128xf32, #tpu.memory_space<vmem_shared>> -> memref<10112x128xf32, #tpu.memory_space<vmem_shared>>
        tpu.wait_indirect_dma semaphore(%run_scoped3A_313 : memref<!tpu.dma_semaphore, #tpu.memory_space<semaphore_mem>>) src(%arg15 : memref<128x128xf32, #tpu.memory_space<vmem>>) dst(%dma_wait3A_325 : memref<10112x128xf32, #tpu.memory_space<vmem_shared>>)
        tpu.yield
      }) : () -> ()
      %run_scoped3A_245 = arith.constant 3 : i32
      "tpu.region"() ({
        %run_scoped3A_313 = tpu.sem_alloc : memref<!tpu.dma_semaphore, #tpu.memory_space<semaphore_mem>>
        %dma_start3A_314 = arith.constant 0 : i32
        %dma_start3A_315 = tpu.memref_slice %arg13[%run_scoped3A_245, %dma_start3A_314] : memref<8x128xi32, #tpu.memory_space<vmem>> -> memref<1x128xi32, #tpu.memory_space<vmem>>
        %dma_start3A_316 = tpu.memref_squeeze %dma_start3A_315 : memref<1x128xi32, #tpu.memory_space<vmem>> -> memref<128xi32, #tpu.memory_space<vmem>>
        %dma_start3A_317 = arith.constant 0 : i32
        %dma_start3A_318 = arith.constant 0 : i32
        %dma_start3A_319 = tpu.memref_slice %arg22[%dma_start3A_317, %dma_start3A_318] : memref<10112x16xf32, #tpu.memory_space<vmem_shared>> -> memref<10112x16xf32, #tpu.memory_space<vmem_shared>>
        tpu.enqueue_indirect_dma source(%arg21 : memref<128x16xf32, #tpu.memory_space<vmem>>) target(%dma_start3A_319 : memref<10112x16xf32, #tpu.memory_space<vmem_shared>>) offsets(%dma_start3A_316 : memref<128xi32, #tpu.memory_space<vmem>>) semaphore(%run_scoped3A_313 : memref<!tpu.dma_semaphore, #tpu.memory_space<semaphore_mem>>) {add = true}
        %dma_wait3A_320 = arith.constant 0 : i32
        %dma_wait3A_321 = tpu.memref_slice %arg13[%run_scoped3A_245, %dma_wait3A_320] : memref<8x128xi32, #tpu.memory_space<vmem>> -> memref<1x128xi32, #tpu.memory_space<vmem>>
        %dma_wait3A_322 = tpu.memref_squeeze %dma_wait3A_321 : memref<1x128xi32, #tpu.memory_space<vmem>> -> memref<128xi32, #tpu.memory_space<vmem>>
        %dma_wait3A_323 = arith.constant 0 : i32
        %dma_wait3A_324 = arith.constant 0 : i32
        %dma_wait3A_325 = tpu.memref_slice %arg22[%dma_wait3A_323, %dma_wait3A_324] : memref<10112x16xf32, #tpu.memory_space<vmem_shared>> -> memref<10112x16xf32, #tpu.memory_space<vmem_shared>>
        tpu.wait_indirect_dma semaphore(%run_scoped3A_313 : memref<!tpu.dma_semaphore, #tpu.memory_space<semaphore_mem>>) src(%arg21 : memref<128x16xf32, #tpu.memory_space<vmem>>) dst(%dma_wait3A_325 : memref<10112x16xf32, #tpu.memory_space<vmem_shared>>)
        tpu.yield
      }) : () -> ()
      %dma_start3A_246 = arith.constant 5 : i32
      %dma_start3A_247 = arith.constant 0 : i32
      %dma_start3A_248 = tpu.memref_slice %arg11[%dma_start3A_246, %dma_start3A_247] : memref<8x128xi32, #tpu.memory_space<vmem>> -> memref<1x128xi32, #tpu.memory_space<vmem>>
      %dma_start3A_249 = tpu.memref_squeeze %dma_start3A_248 : memref<1x128xi32, #tpu.memory_space<vmem>> -> memref<128xi32, #tpu.memory_space<vmem>>
      %dma_start3A_250 = arith.constant 0 : i32
      %dma_start3A_251 = arith.constant 0 : i32
      %dma_start3A_252 = tpu.memref_slice %arg2[%dma_start3A_250, %dma_start3A_251] : memref<10000x128xf32, #tpu.memory_space<hbm>> -> memref<10000x128xf32, #tpu.memory_space<hbm>>
      tpu.enqueue_indirect_dma source(%dma_start3A_252 : memref<10000x128xf32, #tpu.memory_space<hbm>>) target(%arg15 : memref<128x128xf32, #tpu.memory_space<vmem>>) offsets(%dma_start3A_249 : memref<128xi32, #tpu.memory_space<vmem>>) semaphore(%arg18 : memref<!tpu.dma_semaphore, #tpu.memory_space<semaphore_mem>>)
      %dma_wait3A_253 = arith.constant 4 : i32
      %dma_wait3A_254 = arith.constant 0 : i32
      %dma_wait3A_255 = tpu.memref_slice %arg11[%dma_wait3A_253, %dma_wait3A_254] : memref<8x128xi32, #tpu.memory_space<vmem>> -> memref<1x128xi32, #tpu.memory_space<vmem>>
      %dma_wait3A_256 = tpu.memref_squeeze %dma_wait3A_255 : memref<1x128xi32, #tpu.memory_space<vmem>> -> memref<128xi32, #tpu.memory_space<vmem>>
      %dma_wait3A_257 = arith.constant 0 : i32
      %dma_wait3A_258 = arith.constant 0 : i32
      %dma_wait3A_259 = tpu.memref_slice %arg2[%dma_wait3A_257, %dma_wait3A_258] : memref<10000x128xf32, #tpu.memory_space<hbm>> -> memref<10000x128xf32, #tpu.memory_space<hbm>>
      tpu.wait_indirect_dma semaphore(%arg17 : memref<!tpu.dma_semaphore, #tpu.memory_space<semaphore_mem>>) src(%dma_wait3A_259 : memref<10000x128xf32, #tpu.memory_space<hbm>>) dst(%arg14 : memref<128x128xf32, #tpu.memory_space<vmem>>)
      %run_scoped3A_260 = arith.constant 4 : i32
      "tpu.region"() ({
        %run_scoped3A_313 = tpu.sem_alloc : memref<!tpu.dma_semaphore, #tpu.memory_space<semaphore_mem>>
        %dma_start3A_314 = arith.constant 0 : i32
        %dma_start3A_315 = tpu.memref_slice %arg13[%run_scoped3A_260, %dma_start3A_314] : memref<8x128xi32, #tpu.memory_space<vmem>> -> memref<1x128xi32, #tpu.memory_space<vmem>>
        %dma_start3A_316 = tpu.memref_squeeze %dma_start3A_315 : memref<1x128xi32, #tpu.memory_space<vmem>> -> memref<128xi32, #tpu.memory_space<vmem>>
        %dma_start3A_317 = arith.constant 0 : i32
        %dma_start3A_318 = arith.constant 0 : i32
        %dma_start3A_319 = tpu.memref_slice %arg16[%dma_start3A_317, %dma_start3A_318] : memref<10112x128xf32, #tpu.memory_space<vmem_shared>> -> memref<10112x128xf32, #tpu.memory_space<vmem_shared>>
        tpu.enqueue_indirect_dma source(%arg14 : memref<128x128xf32, #tpu.memory_space<vmem>>) target(%dma_start3A_319 : memref<10112x128xf32, #tpu.memory_space<vmem_shared>>) offsets(%dma_start3A_316 : memref<128xi32, #tpu.memory_space<vmem>>) semaphore(%run_scoped3A_313 : memref<!tpu.dma_semaphore, #tpu.memory_space<semaphore_mem>>) {add = true}
        %dma_wait3A_320 = arith.constant 0 : i32
        %dma_wait3A_321 = tpu.memref_slice %arg13[%run_scoped3A_260, %dma_wait3A_320] : memref<8x128xi32, #tpu.memory_space<vmem>> -> memref<1x128xi32, #tpu.memory_space<vmem>>
        %dma_wait3A_322 = tpu.memref_squeeze %dma_wait3A_321 : memref<1x128xi32, #tpu.memory_space<vmem>> -> memref<128xi32, #tpu.memory_space<vmem>>
        %dma_wait3A_323 = arith.constant 0 : i32
        %dma_wait3A_324 = arith.constant 0 : i32
        %dma_wait3A_325 = tpu.memref_slice %arg16[%dma_wait3A_323, %dma_wait3A_324] : memref<10112x128xf32, #tpu.memory_space<vmem_shared>> -> memref<10112x128xf32, #tpu.memory_space<vmem_shared>>
        tpu.wait_indirect_dma semaphore(%run_scoped3A_313 : memref<!tpu.dma_semaphore, #tpu.memory_space<semaphore_mem>>) src(%arg14 : memref<128x128xf32, #tpu.memory_space<vmem>>) dst(%dma_wait3A_325 : memref<10112x128xf32, #tpu.memory_space<vmem_shared>>)
        tpu.yield
      }) : () -> ()
      %run_scoped3A_261 = arith.constant 4 : i32
      "tpu.region"() ({
        %run_scoped3A_313 = tpu.sem_alloc : memref<!tpu.dma_semaphore, #tpu.memory_space<semaphore_mem>>
        %dma_start3A_314 = arith.constant 0 : i32
        %dma_start3A_315 = tpu.memref_slice %arg13[%run_scoped3A_261, %dma_start3A_314] : memref<8x128xi32, #tpu.memory_space<vmem>> -> memref<1x128xi32, #tpu.memory_space<vmem>>
        %dma_start3A_316 = tpu.memref_squeeze %dma_start3A_315 : memref<1x128xi32, #tpu.memory_space<vmem>> -> memref<128xi32, #tpu.memory_space<vmem>>
        %dma_start3A_317 = arith.constant 0 : i32
        %dma_start3A_318 = arith.constant 0 : i32
        %dma_start3A_319 = tpu.memref_slice %arg22[%dma_start3A_317, %dma_start3A_318] : memref<10112x16xf32, #tpu.memory_space<vmem_shared>> -> memref<10112x16xf32, #tpu.memory_space<vmem_shared>>
        tpu.enqueue_indirect_dma source(%arg21 : memref<128x16xf32, #tpu.memory_space<vmem>>) target(%dma_start3A_319 : memref<10112x16xf32, #tpu.memory_space<vmem_shared>>) offsets(%dma_start3A_316 : memref<128xi32, #tpu.memory_space<vmem>>) semaphore(%run_scoped3A_313 : memref<!tpu.dma_semaphore, #tpu.memory_space<semaphore_mem>>) {add = true}
        %dma_wait3A_320 = arith.constant 0 : i32
        %dma_wait3A_321 = tpu.memref_slice %arg13[%run_scoped3A_261, %dma_wait3A_320] : memref<8x128xi32, #tpu.memory_space<vmem>> -> memref<1x128xi32, #tpu.memory_space<vmem>>
        %dma_wait3A_322 = tpu.memref_squeeze %dma_wait3A_321 : memref<1x128xi32, #tpu.memory_space<vmem>> -> memref<128xi32, #tpu.memory_space<vmem>>
        %dma_wait3A_323 = arith.constant 0 : i32
        %dma_wait3A_324 = arith.constant 0 : i32
        %dma_wait3A_325 = tpu.memref_slice %arg22[%dma_wait3A_323, %dma_wait3A_324] : memref<10112x16xf32, #tpu.memory_space<vmem_shared>> -> memref<10112x16xf32, #tpu.memory_space<vmem_shared>>
        tpu.wait_indirect_dma semaphore(%run_scoped3A_313 : memref<!tpu.dma_semaphore, #tpu.memory_space<semaphore_mem>>) src(%arg21 : memref<128x16xf32, #tpu.memory_space<vmem>>) dst(%dma_wait3A_325 : memref<10112x16xf32, #tpu.memory_space<vmem_shared>>)
        tpu.yield
      }) : () -> ()
      %dma_start3A_262 = arith.constant 6 : i32
      %dma_start3A_263 = arith.constant 0 : i32
      %dma_start3A_264 = tpu.memref_slice %arg11[%dma_start3A_262, %dma_start3A_263] : memref<8x128xi32, #tpu.memory_space<vmem>> -> memref<1x128xi32, #tpu.memory_space<vmem>>
      %dma_start3A_265 = tpu.memref_squeeze %dma_start3A_264 : memref<1x128xi32, #tpu.memory_space<vmem>> -> memref<128xi32, #tpu.memory_space<vmem>>
      %dma_start3A_266 = arith.constant 0 : i32
      %dma_start3A_267 = arith.constant 0 : i32
      %dma_start3A_268 = tpu.memref_slice %arg2[%dma_start3A_266, %dma_start3A_267] : memref<10000x128xf32, #tpu.memory_space<hbm>> -> memref<10000x128xf32, #tpu.memory_space<hbm>>
      tpu.enqueue_indirect_dma source(%dma_start3A_268 : memref<10000x128xf32, #tpu.memory_space<hbm>>) target(%arg14 : memref<128x128xf32, #tpu.memory_space<vmem>>) offsets(%dma_start3A_265 : memref<128xi32, #tpu.memory_space<vmem>>) semaphore(%arg17 : memref<!tpu.dma_semaphore, #tpu.memory_space<semaphore_mem>>)
      %dma_wait3A_269 = arith.constant 5 : i32
      %dma_wait3A_270 = arith.constant 0 : i32
      %dma_wait3A_271 = tpu.memref_slice %arg11[%dma_wait3A_269, %dma_wait3A_270] : memref<8x128xi32, #tpu.memory_space<vmem>> -> memref<1x128xi32, #tpu.memory_space<vmem>>
      %dma_wait3A_272 = tpu.memref_squeeze %dma_wait3A_271 : memref<1x128xi32, #tpu.memory_space<vmem>> -> memref<128xi32, #tpu.memory_space<vmem>>
      %dma_wait3A_273 = arith.constant 0 : i32
      %dma_wait3A_274 = arith.constant 0 : i32
      %dma_wait3A_275 = tpu.memref_slice %arg2[%dma_wait3A_273, %dma_wait3A_274] : memref<10000x128xf32, #tpu.memory_space<hbm>> -> memref<10000x128xf32, #tpu.memory_space<hbm>>
      tpu.wait_indirect_dma semaphore(%arg18 : memref<!tpu.dma_semaphore, #tpu.memory_space<semaphore_mem>>) src(%dma_wait3A_275 : memref<10000x128xf32, #tpu.memory_space<hbm>>) dst(%arg15 : memref<128x128xf32, #tpu.memory_space<vmem>>)
      %run_scoped3A_276 = arith.constant 5 : i32
      "tpu.region"() ({
        %run_scoped3A_313 = tpu.sem_alloc : memref<!tpu.dma_semaphore, #tpu.memory_space<semaphore_mem>>
        %dma_start3A_314 = arith.constant 0 : i32
        %dma_start3A_315 = tpu.memref_slice %arg13[%run_scoped3A_276, %dma_start3A_314] : memref<8x128xi32, #tpu.memory_space<vmem>> -> memref<1x128xi32, #tpu.memory_space<vmem>>
        %dma_start3A_316 = tpu.memref_squeeze %dma_start3A_315 : memref<1x128xi32, #tpu.memory_space<vmem>> -> memref<128xi32, #tpu.memory_space<vmem>>
        %dma_start3A_317 = arith.constant 0 : i32
        %dma_start3A_318 = arith.constant 0 : i32
        %dma_start3A_319 = tpu.memref_slice %arg16[%dma_start3A_317, %dma_start3A_318] : memref<10112x128xf32, #tpu.memory_space<vmem_shared>> -> memref<10112x128xf32, #tpu.memory_space<vmem_shared>>
        tpu.enqueue_indirect_dma source(%arg15 : memref<128x128xf32, #tpu.memory_space<vmem>>) target(%dma_start3A_319 : memref<10112x128xf32, #tpu.memory_space<vmem_shared>>) offsets(%dma_start3A_316 : memref<128xi32, #tpu.memory_space<vmem>>) semaphore(%run_scoped3A_313 : memref<!tpu.dma_semaphore, #tpu.memory_space<semaphore_mem>>) {add = true}
        %dma_wait3A_320 = arith.constant 0 : i32
        %dma_wait3A_321 = tpu.memref_slice %arg13[%run_scoped3A_276, %dma_wait3A_320] : memref<8x128xi32, #tpu.memory_space<vmem>> -> memref<1x128xi32, #tpu.memory_space<vmem>>
        %dma_wait3A_322 = tpu.memref_squeeze %dma_wait3A_321 : memref<1x128xi32, #tpu.memory_space<vmem>> -> memref<128xi32, #tpu.memory_space<vmem>>
        %dma_wait3A_323 = arith.constant 0 : i32
        %dma_wait3A_324 = arith.constant 0 : i32
        %dma_wait3A_325 = tpu.memref_slice %arg16[%dma_wait3A_323, %dma_wait3A_324] : memref<10112x128xf32, #tpu.memory_space<vmem_shared>> -> memref<10112x128xf32, #tpu.memory_space<vmem_shared>>
        tpu.wait_indirect_dma semaphore(%run_scoped3A_313 : memref<!tpu.dma_semaphore, #tpu.memory_space<semaphore_mem>>) src(%arg15 : memref<128x128xf32, #tpu.memory_space<vmem>>) dst(%dma_wait3A_325 : memref<10112x128xf32, #tpu.memory_space<vmem_shared>>)
        tpu.yield
      }) : () -> ()
      %run_scoped3A_277 = arith.constant 5 : i32
      "tpu.region"() ({
        %run_scoped3A_313 = tpu.sem_alloc : memref<!tpu.dma_semaphore, #tpu.memory_space<semaphore_mem>>
        %dma_start3A_314 = arith.constant 0 : i32
        %dma_start3A_315 = tpu.memref_slice %arg13[%run_scoped3A_277, %dma_start3A_314] : memref<8x128xi32, #tpu.memory_space<vmem>> -> memref<1x128xi32, #tpu.memory_space<vmem>>
        %dma_start3A_316 = tpu.memref_squeeze %dma_start3A_315 : memref<1x128xi32, #tpu.memory_space<vmem>> -> memref<128xi32, #tpu.memory_space<vmem>>
        %dma_start3A_317 = arith.constant 0 : i32
        %dma_start3A_318 = arith.constant 0 : i32
        %dma_start3A_319 = tpu.memref_slice %arg22[%dma_start3A_317, %dma_start3A_318] : memref<10112x16xf32, #tpu.memory_space<vmem_shared>> -> memref<10112x16xf32, #tpu.memory_space<vmem_shared>>
        tpu.enqueue_indirect_dma source(%arg21 : memref<128x16xf32, #tpu.memory_space<vmem>>) target(%dma_start3A_319 : memref<10112x16xf32, #tpu.memory_space<vmem_shared>>) offsets(%dma_start3A_316 : memref<128xi32, #tpu.memory_space<vmem>>) semaphore(%run_scoped3A_313 : memref<!tpu.dma_semaphore, #tpu.memory_space<semaphore_mem>>) {add = true}
        %dma_wait3A_320 = arith.constant 0 : i32
        %dma_wait3A_321 = tpu.memref_slice %arg13[%run_scoped3A_277, %dma_wait3A_320] : memref<8x128xi32, #tpu.memory_space<vmem>> -> memref<1x128xi32, #tpu.memory_space<vmem>>
        %dma_wait3A_322 = tpu.memref_squeeze %dma_wait3A_321 : memref<1x128xi32, #tpu.memory_space<vmem>> -> memref<128xi32, #tpu.memory_space<vmem>>
        %dma_wait3A_323 = arith.constant 0 : i32
        %dma_wait3A_324 = arith.constant 0 : i32
        %dma_wait3A_325 = tpu.memref_slice %arg22[%dma_wait3A_323, %dma_wait3A_324] : memref<10112x16xf32, #tpu.memory_space<vmem_shared>> -> memref<10112x16xf32, #tpu.memory_space<vmem_shared>>
        tpu.wait_indirect_dma semaphore(%run_scoped3A_313 : memref<!tpu.dma_semaphore, #tpu.memory_space<semaphore_mem>>) src(%arg21 : memref<128x16xf32, #tpu.memory_space<vmem>>) dst(%dma_wait3A_325 : memref<10112x16xf32, #tpu.memory_space<vmem_shared>>)
        tpu.yield
      }) : () -> ()
      %dma_start3A_278 = arith.constant 7 : i32
      %dma_start3A_279 = arith.constant 0 : i32
      %dma_start3A_280 = tpu.memref_slice %arg11[%dma_start3A_278, %dma_start3A_279] : memref<8x128xi32, #tpu.memory_space<vmem>> -> memref<1x128xi32, #tpu.memory_space<vmem>>
      %dma_start3A_281 = tpu.memref_squeeze %dma_start3A_280 : memref<1x128xi32, #tpu.memory_space<vmem>> -> memref<128xi32, #tpu.memory_space<vmem>>
      %dma_start3A_282 = arith.constant 0 : i32
      %dma_start3A_283 = arith.constant 0 : i32
      %dma_start3A_284 = tpu.memref_slice %arg2[%dma_start3A_282, %dma_start3A_283] : memref<10000x128xf32, #tpu.memory_space<hbm>> -> memref<10000x128xf32, #tpu.memory_space<hbm>>
      tpu.enqueue_indirect_dma source(%dma_start3A_284 : memref<10000x128xf32, #tpu.memory_space<hbm>>) target(%arg15 : memref<128x128xf32, #tpu.memory_space<vmem>>) offsets(%dma_start3A_281 : memref<128xi32, #tpu.memory_space<vmem>>) semaphore(%arg18 : memref<!tpu.dma_semaphore, #tpu.memory_space<semaphore_mem>>)
      %dma_wait3A_285 = arith.constant 6 : i32
      %dma_wait3A_286 = arith.constant 0 : i32
      %dma_wait3A_287 = tpu.memref_slice %arg11[%dma_wait3A_285, %dma_wait3A_286] : memref<8x128xi32, #tpu.memory_space<vmem>> -> memref<1x128xi32, #tpu.memory_space<vmem>>
      %dma_wait3A_288 = tpu.memref_squeeze %dma_wait3A_287 : memref<1x128xi32, #tpu.memory_space<vmem>> -> memref<128xi32, #tpu.memory_space<vmem>>
      %dma_wait3A_289 = arith.constant 0 : i32
      %dma_wait3A_290 = arith.constant 0 : i32
      %dma_wait3A_291 = tpu.memref_slice %arg2[%dma_wait3A_289, %dma_wait3A_290] : memref<10000x128xf32, #tpu.memory_space<hbm>> -> memref<10000x128xf32, #tpu.memory_space<hbm>>
      tpu.wait_indirect_dma semaphore(%arg17 : memref<!tpu.dma_semaphore, #tpu.memory_space<semaphore_mem>>) src(%dma_wait3A_291 : memref<10000x128xf32, #tpu.memory_space<hbm>>) dst(%arg14 : memref<128x128xf32, #tpu.memory_space<vmem>>)
      %run_scoped3A_292 = arith.constant 6 : i32
      "tpu.region"() ({
        %run_scoped3A_313 = tpu.sem_alloc : memref<!tpu.dma_semaphore, #tpu.memory_space<semaphore_mem>>
        %dma_start3A_314 = arith.constant 0 : i32
        %dma_start3A_315 = tpu.memref_slice %arg13[%run_scoped3A_292, %dma_start3A_314] : memref<8x128xi32, #tpu.memory_space<vmem>> -> memref<1x128xi32, #tpu.memory_space<vmem>>
        %dma_start3A_316 = tpu.memref_squeeze %dma_start3A_315 : memref<1x128xi32, #tpu.memory_space<vmem>> -> memref<128xi32, #tpu.memory_space<vmem>>
        %dma_start3A_317 = arith.constant 0 : i32
        %dma_start3A_318 = arith.constant 0 : i32
        %dma_start3A_319 = tpu.memref_slice %arg16[%dma_start3A_317, %dma_start3A_318] : memref<10112x128xf32, #tpu.memory_space<vmem_shared>> -> memref<10112x128xf32, #tpu.memory_space<vmem_shared>>
        tpu.enqueue_indirect_dma source(%arg14 : memref<128x128xf32, #tpu.memory_space<vmem>>) target(%dma_start3A_319 : memref<10112x128xf32, #tpu.memory_space<vmem_shared>>) offsets(%dma_start3A_316 : memref<128xi32, #tpu.memory_space<vmem>>) semaphore(%run_scoped3A_313 : memref<!tpu.dma_semaphore, #tpu.memory_space<semaphore_mem>>) {add = true}
        %dma_wait3A_320 = arith.constant 0 : i32
        %dma_wait3A_321 = tpu.memref_slice %arg13[%run_scoped3A_292, %dma_wait3A_320] : memref<8x128xi32, #tpu.memory_space<vmem>> -> memref<1x128xi32, #tpu.memory_space<vmem>>
        %dma_wait3A_322 = tpu.memref_squeeze %dma_wait3A_321 : memref<1x128xi32, #tpu.memory_space<vmem>> -> memref<128xi32, #tpu.memory_space<vmem>>
        %dma_wait3A_323 = arith.constant 0 : i32
        %dma_wait3A_324 = arith.constant 0 : i32
        %dma_wait3A_325 = tpu.memref_slice %arg16[%dma_wait3A_323, %dma_wait3A_324] : memref<10112x128xf32, #tpu.memory_space<vmem_shared>> -> memref<10112x128xf32, #tpu.memory_space<vmem_shared>>
        tpu.wait_indirect_dma semaphore(%run_scoped3A_313 : memref<!tpu.dma_semaphore, #tpu.memory_space<semaphore_mem>>) src(%arg14 : memref<128x128xf32, #tpu.memory_space<vmem>>) dst(%dma_wait3A_325 : memref<10112x128xf32, #tpu.memory_space<vmem_shared>>)
        tpu.yield
      }) : () -> ()
      %run_scoped3A_293 = arith.constant 6 : i32
      "tpu.region"() ({
        %run_scoped3A_313 = tpu.sem_alloc : memref<!tpu.dma_semaphore, #tpu.memory_space<semaphore_mem>>
        %dma_start3A_314 = arith.constant 0 : i32
        %dma_start3A_315 = tpu.memref_slice %arg13[%run_scoped3A_293, %dma_start3A_314] : memref<8x128xi32, #tpu.memory_space<vmem>> -> memref<1x128xi32, #tpu.memory_space<vmem>>
        %dma_start3A_316 = tpu.memref_squeeze %dma_start3A_315 : memref<1x128xi32, #tpu.memory_space<vmem>> -> memref<128xi32, #tpu.memory_space<vmem>>
        %dma_start3A_317 = arith.constant 0 : i32
        %dma_start3A_318 = arith.constant 0 : i32
        %dma_start3A_319 = tpu.memref_slice %arg22[%dma_start3A_317, %dma_start3A_318] : memref<10112x16xf32, #tpu.memory_space<vmem_shared>> -> memref<10112x16xf32, #tpu.memory_space<vmem_shared>>
        tpu.enqueue_indirect_dma source(%arg21 : memref<128x16xf32, #tpu.memory_space<vmem>>) target(%dma_start3A_319 : memref<10112x16xf32, #tpu.memory_space<vmem_shared>>) offsets(%dma_start3A_316 : memref<128xi32, #tpu.memory_space<vmem>>) semaphore(%run_scoped3A_313 : memref<!tpu.dma_semaphore, #tpu.memory_space<semaphore_mem>>) {add = true}
        %dma_wait3A_320 = arith.constant 0 : i32
        %dma_wait3A_321 = tpu.memref_slice %arg13[%run_scoped3A_293, %dma_wait3A_320] : memref<8x128xi32, #tpu.memory_space<vmem>> -> memref<1x128xi32, #tpu.memory_space<vmem>>
        %dma_wait3A_322 = tpu.memref_squeeze %dma_wait3A_321 : memref<1x128xi32, #tpu.memory_space<vmem>> -> memref<128xi32, #tpu.memory_space<vmem>>
        %dma_wait3A_323 = arith.constant 0 : i32
        %dma_wait3A_324 = arith.constant 0 : i32
        %dma_wait3A_325 = tpu.memref_slice %arg22[%dma_wait3A_323, %dma_wait3A_324] : memref<10112x16xf32, #tpu.memory_space<vmem_shared>> -> memref<10112x16xf32, #tpu.memory_space<vmem_shared>>
        tpu.wait_indirect_dma semaphore(%run_scoped3A_313 : memref<!tpu.dma_semaphore, #tpu.memory_space<semaphore_mem>>) src(%arg21 : memref<128x16xf32, #tpu.memory_space<vmem>>) dst(%dma_wait3A_325 : memref<10112x16xf32, #tpu.memory_space<vmem_shared>>)
        tpu.yield
      }) : () -> ()
      %lt3A_294 = arith.constant 9 : i32
      %lt3A_295 = arith.cmpi slt, %add3A_181, %lt3A_294 : i32
      %convert_element_type3A_296 = arith.extui %lt3A_295 : i1 to i32
      %cond3A_297 = arith.constant 0 : i32
      %cond3A_298 = arith.cmpi ne, %convert_element_type3A_296, %cond3A_297 : i32
      scf.if %cond3A_298 {
        %dma_wait3A_313 = arith.constant 0 : i32
        %dma_wait3A_314 = tpu.memref_slice %arg3[%add3A, %dma_wait3A_313] : memref<2560x128xi32, #tpu.memory_space<hbm>> -> memref<8x128xi32, #tpu.memory_space<hbm>>
        %dma_wait3A_315 = arith.constant 0 : i32
        %dma_wait3A_316 = tpu.memref_slice %arg3[%add3A, %dma_wait3A_315] : memref<2560x128xi32, #tpu.memory_space<hbm>> -> memref<8x128xi32, #tpu.memory_space<hbm>>
        tpu.wait_dma2 semaphore(%arg19 : memref<!tpu.dma_semaphore, #tpu.memory_space<semaphore_mem>>) src(%dma_wait3A_316 : memref<8x128xi32, #tpu.memory_space<hbm>>) dst(%arg10 : memref<8x128xi32, #tpu.memory_space<vmem>>)
        %dma_wait3A_317 = arith.constant 0 : i32
        %dma_wait3A_318 = tpu.memref_slice %arg4[%add3A, %dma_wait3A_317] : memref<2560x128xi32, #tpu.memory_space<hbm>> -> memref<8x128xi32, #tpu.memory_space<hbm>>
        %dma_wait3A_319 = arith.constant 0 : i32
        %dma_wait3A_320 = tpu.memref_slice %arg4[%add3A, %dma_wait3A_319] : memref<2560x128xi32, #tpu.memory_space<hbm>> -> memref<8x128xi32, #tpu.memory_space<hbm>>
        tpu.wait_dma2 semaphore(%arg19 : memref<!tpu.dma_semaphore, #tpu.memory_space<semaphore_mem>>) src(%dma_wait3A_320 : memref<8x128xi32, #tpu.memory_space<hbm>>) dst(%arg12 : memref<8x128xi32, #tpu.memory_space<vmem>>)
        %dma_start3A_321 = arith.constant 0 : i32
        %dma_start3A_322 = arith.constant 0 : i32
        %dma_start3A_323 = tpu.memref_slice %arg10[%dma_start3A_321, %dma_start3A_322] : memref<8x128xi32, #tpu.memory_space<vmem>> -> memref<1x128xi32, #tpu.memory_space<vmem>>
        %dma_start3A_324 = tpu.memref_squeeze %dma_start3A_323 : memref<1x128xi32, #tpu.memory_space<vmem>> -> memref<128xi32, #tpu.memory_space<vmem>>
        %dma_start3A_325 = arith.constant 0 : i32
        %dma_start3A_326 = arith.constant 0 : i32
        %dma_start3A_327 = tpu.memref_slice %arg2[%dma_start3A_325, %dma_start3A_326] : memref<10000x128xf32, #tpu.memory_space<hbm>> -> memref<10000x128xf32, #tpu.memory_space<hbm>>
        tpu.enqueue_indirect_dma source(%dma_start3A_327 : memref<10000x128xf32, #tpu.memory_space<hbm>>) target(%arg14 : memref<128x128xf32, #tpu.memory_space<vmem>>) offsets(%dma_start3A_324 : memref<128xi32, #tpu.memory_space<vmem>>) semaphore(%arg17 : memref<!tpu.dma_semaphore, #tpu.memory_space<semaphore_mem>>)
      } else {
      }
      %dma_wait3A_299 = arith.constant 7 : i32
      %dma_wait3A_300 = arith.constant 0 : i32
      %dma_wait3A_301 = tpu.memref_slice %arg11[%dma_wait3A_299, %dma_wait3A_300] : memref<8x128xi32, #tpu.memory_space<vmem>> -> memref<1x128xi32, #tpu.memory_space<vmem>>
      %dma_wait3A_302 = tpu.memref_squeeze %dma_wait3A_301 : memref<1x128xi32, #tpu.memory_space<vmem>> -> memref<128xi32, #tpu.memory_space<vmem>>
      %dma_wait3A_303 = arith.constant 0 : i32
      %dma_wait3A_304 = arith.constant 0 : i32
      %dma_wait3A_305 = tpu.memref_slice %arg2[%dma_wait3A_303, %dma_wait3A_304] : memref<10000x128xf32, #tpu.memory_space<hbm>> -> memref<10000x128xf32, #tpu.memory_space<hbm>>
      tpu.wait_indirect_dma semaphore(%arg18 : memref<!tpu.dma_semaphore, #tpu.memory_space<semaphore_mem>>) src(%dma_wait3A_305 : memref<10000x128xf32, #tpu.memory_space<hbm>>) dst(%arg15 : memref<128x128xf32, #tpu.memory_space<vmem>>)
      %run_scoped3A_306 = arith.constant 7 : i32
      "tpu.region"() ({
        %run_scoped3A_313 = tpu.sem_alloc : memref<!tpu.dma_semaphore, #tpu.memory_space<semaphore_mem>>
        %dma_start3A_314 = arith.constant 0 : i32
        %dma_start3A_315 = tpu.memref_slice %arg13[%run_scoped3A_306, %dma_start3A_314] : memref<8x128xi32, #tpu.memory_space<vmem>> -> memref<1x128xi32, #tpu.memory_space<vmem>>
        %dma_start3A_316 = tpu.memref_squeeze %dma_start3A_315 : memref<1x128xi32, #tpu.memory_space<vmem>> -> memref<128xi32, #tpu.memory_space<vmem>>
        %dma_start3A_317 = arith.constant 0 : i32
        %dma_start3A_318 = arith.constant 0 : i32
        %dma_start3A_319 = tpu.memref_slice %arg16[%dma_start3A_317, %dma_start3A_318] : memref<10112x128xf32, #tpu.memory_space<vmem_shared>> -> memref<10112x128xf32, #tpu.memory_space<vmem_shared>>
        tpu.enqueue_indirect_dma source(%arg15 : memref<128x128xf32, #tpu.memory_space<vmem>>) target(%dma_start3A_319 : memref<10112x128xf32, #tpu.memory_space<vmem_shared>>) offsets(%dma_start3A_316 : memref<128xi32, #tpu.memory_space<vmem>>) semaphore(%run_scoped3A_313 : memref<!tpu.dma_semaphore, #tpu.memory_space<semaphore_mem>>) {add = true}
        %dma_wait3A_320 = arith.constant 0 : i32
        %dma_wait3A_321 = tpu.memref_slice %arg13[%run_scoped3A_306, %dma_wait3A_320] : memref<8x128xi32, #tpu.memory_space<vmem>> -> memref<1x128xi32, #tpu.memory_space<vmem>>
        %dma_wait3A_322 = tpu.memref_squeeze %dma_wait3A_321 : memref<1x128xi32, #tpu.memory_space<vmem>> -> memref<128xi32, #tpu.memory_space<vmem>>
        %dma_wait3A_323 = arith.constant 0 : i32
        %dma_wait3A_324 = arith.constant 0 : i32
        %dma_wait3A_325 = tpu.memref_slice %arg16[%dma_wait3A_323, %dma_wait3A_324] : memref<10112x128xf32, #tpu.memory_space<vmem_shared>> -> memref<10112x128xf32, #tpu.memory_space<vmem_shared>>
        tpu.wait_indirect_dma semaphore(%run_scoped3A_313 : memref<!tpu.dma_semaphore, #tpu.memory_space<semaphore_mem>>) src(%arg15 : memref<128x128xf32, #tpu.memory_space<vmem>>) dst(%dma_wait3A_325 : memref<10112x128xf32, #tpu.memory_space<vmem_shared>>)
        tpu.yield
      }) : () -> ()
      %run_scoped3A_307 = arith.constant 7 : i32
      "tpu.region"() ({
        %run_scoped3A_313 = tpu.sem_alloc : memref<!tpu.dma_semaphore, #tpu.memory_space<semaphore_mem>>
        %dma_start3A_314 = arith.constant 0 : i32
        %dma_start3A_315 = tpu.memref_slice %arg13[%run_scoped3A_307, %dma_start3A_314] : memref<8x128xi32, #tpu.memory_space<vmem>> -> memref<1x128xi32, #tpu.memory_space<vmem>>
        %dma_start3A_316 = tpu.memref_squeeze %dma_start3A_315 : memref<1x128xi32, #tpu.memory_space<vmem>> -> memref<128xi32, #tpu.memory_space<vmem>>
        %dma_start3A_317 = arith.constant 0 : i32
        %dma_start3A_318 = arith.constant 0 : i32
        %dma_start3A_319 = tpu.memref_slice %arg22[%dma_start3A_317, %dma_start3A_318] : memref<10112x16xf32, #tpu.memory_space<vmem_shared>> -> memref<10112x16xf32, #tpu.memory_space<vmem_shared>>
        tpu.enqueue_indirect_dma source(%arg21 : memref<128x16xf32, #tpu.memory_space<vmem>>) target(%dma_start3A_319 : memref<10112x16xf32, #tpu.memory_space<vmem_shared>>) offsets(%dma_start3A_316 : memref<128xi32, #tpu.memory_space<vmem>>) semaphore(%run_scoped3A_313 : memref<!tpu.dma_semaphore, #tpu.memory_space<semaphore_mem>>) {add = true}
        %dma_wait3A_320 = arith.constant 0 : i32
        %dma_wait3A_321 = tpu.memref_slice %arg13[%run_scoped3A_307, %dma_wait3A_320] : memref<8x128xi32, #tpu.memory_space<vmem>> -> memref<1x128xi32, #tpu.memory_space<vmem>>
        %dma_wait3A_322 = tpu.memref_squeeze %dma_wait3A_321 : memref<1x128xi32, #tpu.memory_space<vmem>> -> memref<128xi32, #tpu.memory_space<vmem>>
        %dma_wait3A_323 = arith.constant 0 : i32
        %dma_wait3A_324 = arith.constant 0 : i32
        %dma_wait3A_325 = tpu.memref_slice %arg22[%dma_wait3A_323, %dma_wait3A_324] : memref<10112x16xf32, #tpu.memory_space<vmem_shared>> -> memref<10112x16xf32, #tpu.memory_space<vmem_shared>>
        tpu.wait_indirect_dma semaphore(%run_scoped3A_313 : memref<!tpu.dma_semaphore, #tpu.memory_space<semaphore_mem>>) src(%arg21 : memref<128x16xf32, #tpu.memory_space<vmem>>) dst(%dma_wait3A_325 : memref<10112x16xf32, #tpu.memory_space<vmem_shared>>)
        tpu.yield
      }) : () -> ()
      %lt3A_308 = arith.constant 8 : i32
      %lt3A_309 = arith.cmpi slt, %add3A_181, %lt3A_308 : i32
      %convert_element_type3A_310 = arith.extui %lt3A_309 : i1 to i32
      %cond3A_311 = arith.constant 0 : i32
      %cond3A_312 = arith.cmpi ne, %convert_element_type3A_310, %cond3A_311 : i32
      scf.if %cond3A_312 {
        %add3A_313 = arith.constant 2 : i32
        %add3A_314 = arith.addi %add3A_181, %add3A_313 : i32
        %mul3A_315 = arith.constant 8 : i32
        %mul3A_316 = arith.muli %add3A_314, %mul3A_315 : i32
        %add3A_317 = arith.addi %add3A, %mul3A_316 : i32
        %dma_start3A_318 = arith.constant 0 : i32
        %dma_start3A_319 = tpu.memref_slice %arg3[%add3A_317, %dma_start3A_318] : memref<2560x128xi32, #tpu.memory_space<hbm>> -> memref<8x128xi32, #tpu.memory_space<hbm>>
        %dma_start3A_320 = arith.constant 0 : i32
        %dma_start3A_321 = tpu.memref_slice %arg3[%add3A_317, %dma_start3A_320] : memref<2560x128xi32, #tpu.memory_space<hbm>> -> memref<8x128xi32, #tpu.memory_space<hbm>>
        tpu.enqueue_dma source(%dma_start3A_321 : memref<8x128xi32, #tpu.memory_space<hbm>>) target(%arg11 : memref<8x128xi32, #tpu.memory_space<vmem>>) target_semaphore(%arg20 : memref<!tpu.dma_semaphore, #tpu.memory_space<semaphore_mem>>)
        %mul3A_322 = arith.constant 8 : i32
        %mul3A_323 = arith.muli %add3A_314, %mul3A_322 : i32
        %add3A_324 = arith.addi %add3A, %mul3A_323 : i32
        %dma_start3A_325 = arith.constant 0 : i32
        %dma_start3A_326 = tpu.memref_slice %arg4[%add3A_324, %dma_start3A_325] : memref<2560x128xi32, #tpu.memory_space<hbm>> -> memref<8x128xi32, #tpu.memory_space<hbm>>
        %dma_start3A_327 = arith.constant 0 : i32
        %dma_start3A_328 = tpu.memref_slice %arg4[%add3A_324, %dma_start3A_327] : memref<2560x128xi32, #tpu.memory_space<hbm>> -> memref<8x128xi32, #tpu.memory_space<hbm>>
        tpu.enqueue_dma source(%dma_start3A_328 : memref<8x128xi32, #tpu.memory_space<hbm>>) target(%arg13 : memref<8x128xi32, #tpu.memory_space<vmem>>) target_semaphore(%arg20 : memref<!tpu.dma_semaphore, #tpu.memory_space<semaphore_mem>>)
      } else {
      }
    }
    %scan3A_46 = arith.constant 5 : i32
    %barrier3A_47 = arith.constant 0 : index
    tpu.barrier barrier_id(%barrier3A_47)
    "tpu.region"() ({
      %run_scoped3A = tpu.sem_alloc : memref<!tpu.dma_semaphore, #tpu.memory_space<semaphore_mem>>
      %dma_start3A_48 = arith.constant 0 : i32
      %dma_start3A_49 = tpu.memref_slice %arg8[%arg0, %mul3A_0, %dma_start3A_48] : memref<2x10112x128xf32, #tpu.memory_space<hbm>> -> memref<1x632x128xf32, #tpu.memory_space<hbm>>
      %dma_start3A_50 = tpu.memref_squeeze %dma_start3A_49 : memref<1x632x128xf32, #tpu.memory_space<hbm>> -> memref<632x128xf32, #tpu.memory_space<hbm>>
      %dma_start3A_51 = arith.constant 0 : i32
      %dma_start3A_52 = tpu.memref_slice %arg16[%mul3A_0, %dma_start3A_51] : memref<10112x128xf32, #tpu.memory_space<vmem_shared>> -> memref<632x128xf32, #tpu.memory_space<vmem_shared>>
      tpu.enqueue_dma source(%dma_start3A_52 : memref<632x128xf32, #tpu.memory_space<vmem_shared>>) target(%dma_start3A_50 : memref<632x128xf32, #tpu.memory_space<hbm>>) target_semaphore(%run_scoped3A : memref<!tpu.dma_semaphore, #tpu.memory_space<semaphore_mem>>)
      %dma_wait3A_53 = arith.constant 0 : i32
      %dma_wait3A_54 = tpu.memref_slice %arg8[%arg0, %mul3A_0, %dma_wait3A_53] : memref<2x10112x128xf32, #tpu.memory_space<hbm>> -> memref<1x632x128xf32, #tpu.memory_space<hbm>>
      %dma_wait3A_55 = tpu.memref_squeeze %dma_wait3A_54 : memref<1x632x128xf32, #tpu.memory_space<hbm>> -> memref<632x128xf32, #tpu.memory_space<hbm>>
      %dma_wait3A_56 = arith.constant 0 : i32
      %dma_wait3A_57 = tpu.memref_slice %arg16[%mul3A_0, %dma_wait3A_56] : memref<10112x128xf32, #tpu.memory_space<vmem_shared>> -> memref<632x128xf32, #tpu.memory_space<vmem_shared>>
      tpu.wait_dma2 semaphore(%run_scoped3A : memref<!tpu.dma_semaphore, #tpu.memory_space<semaphore_mem>>) src(%dma_wait3A_57 : memref<632x128xf32, #tpu.memory_space<vmem_shared>>) dst(%dma_wait3A_55 : memref<632x128xf32, #tpu.memory_space<hbm>>)
      tpu.yield
    }) : () -> ()
    "tpu.region"() ({
      %run_scoped3A = tpu.sem_alloc : memref<!tpu.dma_semaphore, #tpu.memory_space<semaphore_mem>>
      %dma_start3A_48 = arith.constant 0 : i32
      %dma_start3A_49 = tpu.memref_slice %arg9[%arg0, %mul3A_0, %dma_start3A_48] : memref<2x10112x16xf32, #tpu.memory_space<hbm>> -> memref<1x632x16xf32, #tpu.memory_space<hbm>>
      %dma_start3A_50 = tpu.memref_squeeze %dma_start3A_49 : memref<1x632x16xf32, #tpu.memory_space<hbm>> -> memref<632x16xf32, #tpu.memory_space<hbm>>
      %dma_start3A_51 = arith.constant 0 : i32
      %dma_start3A_52 = tpu.memref_slice %arg22[%mul3A_0, %dma_start3A_51] : memref<10112x16xf32, #tpu.memory_space<vmem_shared>> -> memref<632x16xf32, #tpu.memory_space<vmem_shared>>
      tpu.enqueue_dma source(%dma_start3A_52 : memref<632x16xf32, #tpu.memory_space<vmem_shared>>) target(%dma_start3A_50 : memref<632x16xf32, #tpu.memory_space<hbm>>) target_semaphore(%run_scoped3A : memref<!tpu.dma_semaphore, #tpu.memory_space<semaphore_mem>>)
      %dma_wait3A_53 = arith.constant 0 : i32
      %dma_wait3A_54 = tpu.memref_slice %arg9[%arg0, %mul3A_0, %dma_wait3A_53] : memref<2x10112x16xf32, #tpu.memory_space<hbm>> -> memref<1x632x16xf32, #tpu.memory_space<hbm>>
      %dma_wait3A_55 = tpu.memref_squeeze %dma_wait3A_54 : memref<1x632x16xf32, #tpu.memory_space<hbm>> -> memref<632x16xf32, #tpu.memory_space<hbm>>
      %dma_wait3A_56 = arith.constant 0 : i32
      %dma_wait3A_57 = tpu.memref_slice %arg22[%mul3A_0, %dma_wait3A_56] : memref<10112x16xf32, #tpu.memory_space<vmem_shared>> -> memref<632x16xf32, #tpu.memory_space<vmem_shared>>
      tpu.wait_dma2 semaphore(%run_scoped3A : memref<!tpu.dma_semaphore, #tpu.memory_space<semaphore_mem>>) src(%dma_wait3A_57 : memref<632x16xf32, #tpu.memory_space<vmem_shared>>) dst(%dma_wait3A_55 : memref<632x16xf32, #tpu.memory_space<hbm>>)
      tpu.yield
    }) : () -> ()
    return
  }
}

</mosaic_0001>

<sc_bundles>
// kernel: _segsum_sc.3.cloned.1.call-start
scs
__scs_entry_jumppad:
0x0: {  	(pc) =	sbr.rel $0x88, $3  }
0x1: {  	(tag) =	ssettag $0x0;
	lr =	simm.s32 $0x1  }
0x2: {  	[smem:$0x3F9B] =	sst lr;
	_ =	strace $0xD0000000  }
0x3: {  	_ = 	snop  }
0x4: {  	_ = 	snop  }
0x5: {  	_ = 	snop  }
0x6: {  	_ = 	snop  }
0x7: {  	_ = 	snop  }
__scs_overlays_trampoline_lowered:
0x8: {  	[smem:$0x3FAA] =	sst s0  }
0x9: {  	[smem:$0x3FAB] =	sst s1  }
0xa: {  	[smem:$0x3FAC] =	sst s2  }
0xb: {  	[smem:$0x3FAD] =	sst s3  }
0xc: {  	[smem:$0x3FAE] =	sst s4  }
0xd: {  	[smem:$0x3FAF] =	sst s5  }
0xe: {  	[smem:$0x3FB0] =	sst s6  }
0xf: {  	[smem:$0x3FB1] =	sst s7  }
0x10: {  	[smem:$0x3FB2] =	sst s8  }
0x11: {  	[smem:$0x3FB3] =	sst s9;
	s0 =	simm.s32 @!p0 $0x0  }
0x12: {  	s1 =	sld [smem:$0x3F99];
	s0 =	simm.s32 @p0 $0x1  }
0x13: {  	[smem:$0x3FB4] =	sst s0;
	s0 =	simm.s32 @!p1 $0x0  }
0x14: {  	s2 =	sld [smem:$0x3F98];
	s0 =	simm.s32 @p1 $0x1  }
0x15: {  	[smem:$0x3FB5] =	sst s0;
	s0 =	simm.s32 @!p2 $0x0  }
0x16: {  	s3 =	sld [smem:$0x3FDB];
	s0 =	simm.s32 @p2 $0x1  }
0x17: {  	s4 =	simm.s32 $0x1BF5;
	[smem:$0x3FB7] =	sst s0  }
0x18: {  	s0 =	sld [smem:$0x3F9A];
	_ =	swait.ge [sflag:s4], $0x0  }
0x19: {  	s7 =	sld [smem:$0x3F9B]  }
0x1a: {  	s8 =	sadd.s32 $0xFFFFE003, lr  }
0x1b: {  	s9 =	sadd.s32 $0xFFFFFEF7, lr;
	s5 =	simm.s32 $0xFFFFFFFF;
	p2 =	slt.u32 s8, $0xFFFFF086  }
0x1c: {  	p1 =	slt.u32 s9, $0xF7A;
	s5 =	simm.s32 @!p2 $0x0  }
0x1d: {  	s5 =	simm.s32 @p1 $0x1;
	p0 =	seq.s32 s7, s2  }
0x1e: {  	s7 =	smul.u32 @!p0 $0xF7A, s2;
	p2 =	seq.s32 @!p0 s5, $0x0  }
0x1f: {  	s9 =	smul.u32 $0xF7A, s1;
	s8 =	simm.s32 @!p0 $0x1BF5;
	p2 =	por !p2, p0  }
0x20: {  	[sflag:s8] =	ssyncset.s32 @!p0 $0xFFFFF086;
	s6 =	sadd.s32 @!p0 s3, s7;
	s7 =	simm.s32 @!p0 $0x108  }
0x21: {  	s3 =	sadd.s32 s3, s9;
	s6 =	sadd.s32 @!p0 $0x88, s6;
	s7 =	simm.s32 @p2 $0x1082  }
0x22: {  	[simem:s7], [sflag:s8] =	dma.local @!p0 [hbm:s6], $0xF7A  }
0x23: {  	s9 =	sor.u32 $0xD0000000, s2;
	s6 =	simm.s32 $0x108;
	_ =	swait.ge @!p0 [sflag:s8], $0x0  }
0x24: {  	s3 =	sadd.s32 $0x88, s3;
	s6 =	simm.s32 @!p1 $0x1082;
	[sflag:s4] =	ssyncset.s32 $0xFFFFF086  }
0x25: {  	[simem:s6], [sflag:s4] =	dma.local [hbm:s3], $0xF7A  }
0x26: {  	[smem:$0x3F9B] =	sst s1;
	(tag) =	ssettag s2;
	_ =	strace s9  }
0x27: {  	s1 =	sld [smem:$0x3FAB]  }
0x28: {  	s2 =	sld [smem:$0x3FAC]  }
0x29: {  	s4 =	sld [smem:$0x3FAE]  }
0x2a: {  	p0 =	seq.s32 s5, $0x0;
	s5 =	sld [smem:$0x3FAF]  }
0x2b: {  	s6 =	sld [smem:$0x3FB0]  }
0x2c: {  	s7 =	sld [smem:$0x3FB1]  }
0x2d: {  	s3 =	simm.s32 $0x108;
	s8 =	sld [smem:$0x3FB2]  }
0x2e: {  	s3 =	simm.s32 @!p0 $0x1082;
	s9 =	sld [smem:$0x3FB3]  }
0x2f: {  	lr =	sadd.s32 s0, s3;
	s0 =	sld [smem:$0x3FAA]  }
0x30: {  	s3 =	sld [smem:$0x3FAD]  }
0x31: {  	[smem:$0x3FB6] =	sst s10  }
0x32: {  	s10 =	sld [smem:$0x3FB4];
	_ =	sdelay $0x3  }
0x33: {  	p0 =	seq.s32 s10, $0x1;
	s10 =	sld [smem:$0x3FB6];
	_ =	sdelay $0x3  }
0x34: {  	[smem:$0x3FB6] =	sst s10  }
0x35: {  	s10 =	sld [smem:$0x3FB5];
	_ =	sdelay $0x3  }
0x36: {  	p1 =	seq.s32 s10, $0x1;
	s10 =	sld [smem:$0x3FB6];
	_ =	sdelay $0x3  }
0x37: {  	[smem:$0x3FB6] =	sst s10  }
0x38: {  	s10 =	sld [smem:$0x3FB7]  }
0x39: {  	_ = 	snop;
	(pc) =	sbr.ind lr, $3  }
0x3a: {  	_ = 	snop  }
0x3b: {  	_ = 	snop  }
0x3c: {  	p2 =	seq.s32 s10, $0x1;
	s10 =	sld [smem:$0x3FB6]  }
0x3d: {  	_ =	shalt  }
0x3e: {  	_ =	shalt  }
0x3f: {  	_ =	shalt  }
0x40: {  	_ =	shalt  }
0x41: {  	_ =	shalt  }
0x42: {  	_ =	shalt  }
0x43: {  	_ =	shalt  }
0x44: {  	_ =	shalt  }
0x45: {  	_ =	shalt  }
0x46: {  	_ =	shalt  }
0x47: {  	_ =	shalt  }
0x48: {  	_ =	shalt  }
0x49: {  	_ =	shalt  }
0x4a: {  	_ =	shalt  }
0x4b: {  	_ =	shalt  }
0x4c: {  	_ =	shalt  }
0x4d: {  	_ =	shalt  }
0x4e: {  	_ =	shalt  }
0x4f: {  	_ =	shalt  }
0x50: {  	_ =	shalt  }
0x51: {  	_ =	shalt  }
0x52: {  	_ =	shalt  }
0x53: {  	_ =	shalt  }
0x54: {  	_ =	shalt  }
0x55: {  	_ =	shalt  }
0x56: {  	_ =	shalt  }
0x57: {  	_ =	shalt  }
0x58: {  	_ =	shalt  }
0x59: {  	_ =	shalt  }
0x5a: {  	_ =	shalt  }
0x5b: {  	_ =	shalt  }
0x5c: {  	_ =	shalt  }
0x5d: {  	_ =	shalt  }
0x5e: {  	_ =	shalt  }
0x5f: {  	_ =	shalt  }
0x60: {  	_ =	shalt  }
0x61: {  	_ =	shalt  }
0x62: {  	_ =	shalt  }
0x63: {  	_ =	shalt  }
0x64: {  	_ =	shalt  }
0x65: {  	_ =	shalt  }
0x66: {  	_ =	shalt  }
0x67: {  	_ =	shalt  }
0x68: {  	_ =	shalt  }
0x69: {  	_ =	shalt  }
0x6a: {  	_ =	shalt  }
0x6b: {  	_ =	shalt  }
0x6c: {  	_ =	shalt  }
0x6d: {  	_ =	shalt  }
0x6e: {  	_ =	shalt  }
0x6f: {  	_ =	shalt  }
0x70: {  	_ =	shalt  }
0x71: {  	_ =	shalt  }
0x72: {  	_ =	shalt  }
0x73: {  	_ =	shalt  }
0x74: {  	_ =	shalt  }
0x75: {  	_ =	shalt  }
0x76: {  	_ =	shalt  }
0x77: {  	_ =	shalt  }
0x78: {  	_ =	shalt  }
0x79: {  	_ =	shalt  }
0x7a: {  	_ =	shalt  }
0x7b: {  	_ =	shalt  }
0x7c: {  	_ =	shalt  }
0x7d: {  	_ =	shalt  }
0x7e: {  	_ =	shalt  }
0x7f: {  	_ =	shalt  }
0x80: {  	_ =	shalt  }
0x81: {  	_ =	shalt  }
0x82: {  	_ =	shalt  }
0x83: {  	_ =	shalt  }
0x84: {  	_ =	shalt  }
0x85: {  	_ =	shalt  }
0x86: {  	_ =	shalt  }
0x87: {  	_ =	shalt  }
.Lfunc_end0:
.L_simem_size_0:
called_computation_lowered:
.L_overlay_start_0:
0x88: {  	s2 =	sld [smem:$0x3FD9]  }
0x89: {  	s3 =	sld [smem:$0x3FFE];
	_ =	sdelay $0x1  }
0x8a: {  	s1 =	srdreg.scid  }
0x8b: {  	s0 =	sand.u32 $0x1, s1  }
0x8c: {  	s14 =	sshll.u32 s0, $0xA;
	s2 =	sadd.s32 s3, s2  }
0x8d: {  	s2 =	sadd.s32 s2, s14  }
0x8e: {  	[smem:$0x3FC2] =	sst s2  }
0x8f: {  	_ = 	snop  }
0x90: {  	s2 =	sld [smem:$0x3FC9]  }
0x91: {  	s15 =	sld [smem:$0x3FD0]  }
0x92: {  	s4 =	sld [smem:$0x3FC8]  }
0x93: {  	s5 =	sld [smem:$0x3FC7]  }
0x94: {  	s7 =	simm.s32 $0xA;
	s8 =	simm.s32 $0x10;
	s6 =	sld [smem:$0x3FC6]  }
0x95: {  	[smem:s8], [sflag:s7] =	dma.local [hbm:s15], $0x1  }
0x96: {  	_ =	swait.eq [sflag:s7], $0x1  }
0x97: {  	[sflag:s7] =	ssyncset.done $0x0  }
0x98: {  	s16 =	sld [smem:$0x10];
	[sflag:s7] =	ssyncadd.s32 $0xFFFFFFFF  }
0x99: {  	s17 =	sld [smem:$0x11];
	(tm) =	ssettm $0x1  }
0x9a: {  	s18 =	sld [smem:$0x3FFB];
	_ =	sdelay $0x3  }
0x9b: {  	_ =	strace s18  }
0x9c: {  	s8 =	sld [smem:$0x3FFC];
	_ =	sdelay $0x3  }
0x9d: {  	_ =	strace s8  }
0x9e: {  	s8 =	sld [smem:$0x3FFD];
	_ =	sdelay $0x3  }
0x9f: {  	_ =	strace s8  }
0xa0: {  	_ =	strace $0x8FFFFFFF  }
0xa1: {  	s19 =	sld [smem:$0x3FDB];
	_ =	sdelay $0x1  }
0xa2: {  	s9 =	simm.s32 $_scs_section_size  }
0xa3: {  	s10 =	simm.s32 $_size__tile_overlayer_lowered;
	s11 =	simm.s32 $_tile_overlayer_lowered  }
0xa4: {  	s22 =	simm.s32 $0x1BFF;
	s21 =	sshll.u32 s11, $0x1;
	s8 =	sadd.s32 s9, s19  }
0xa5: {  	s12 =	simm.s32 $0x0;
	s20 =	sshll.u32 s10, $0x1;
	s10 =	sadd.s32 s21, s8  }
0xa6: {  	[timem:s12], [sflag:s22] =	dma.local [hbm:s10], s20  }
0xa7: {  	_ =	swait.ge [sflag:s22], s20  }
0xa8: {  	s9 =	ssub.s32 $0x0, s20;
	[sflag:s22] =	ssyncset.done $0x0  }
0xa9: {  	[sflag:s22] =	ssyncadd.s32 s9;
	_ =	sdelay $0x1  }
0xaa: {  	s23 =	simm.s32 $0x1B8B  }
0xab: {  	_ =	swait.ge [sflag:s23], $0x1  }
0xac: {  	[sflag:s23] =	ssyncset.done $0x0  }
0xad: {  	s25 =	simm.s32 $0x1B8E;
	s24 =	sld [smem:$0x3FFE];
	[sflag:s23] =	ssyncadd.s32 $0xFFFFFFFF  }
0xae: {  	s26 =	simm.s32 $execute0_lowered;
	[smem:$0x3FD2] =	sst s25  }
0xaf: {  	s10 =	sshll.u32 s26, $0x1;
	_ =	strace $0x80000046;
	[dreg:$0x1] =	wrdreg $0xFFFFFFFF  }
0xb0: {  	s28 =	simm.s32 $_size_execute0_lowered;
	s8 =	sadd.s32 s8, s10;
	[dreg:$0x0] =	wrdreg $0x0  }
0xb1: {  	s10 =	sshll.u32 s28, $0x1;
	[dreg:$0x2] =	wrdreg s8  }
0xb2: {  	[dreg:$0x3] =	wrdreg s10  }
0xb3: {  	[dreg:$0x4] =	wrdreg $0xC0  }
0xb4: {  	_ =	task [dreg:s12], $0x5FFFF  }
0xb5: {  	[dreg:$0x1] =	wrdreg $0xFFFFFFFF  }
0xb6: {  	[dreg:$0x0] =	wrdreg $0x60  }
0xb7: {  	[dreg:$0x2] =	wrdreg s2  }
0xb8: {  	[dreg:$0x3] =	wrdreg s4  }
0xb9: {  	[dreg:$0x4] =	wrdreg s5  }
0xba: {  	[dreg:$0x5] =	wrdreg s6  }
0xbb: {  	[dreg:$0x6] =	wrdreg s24  }
0xbc: {  	[dreg:$0x7] =	wrdreg s16  }
0xbd: {  	[dreg:$0x8] =	wrdreg s17  }
0xbe: {  	[dreg:$0x9] =	wrdreg $0x90000  }
0xbf: {  	[dreg:$0xa] =	wrdreg $0x1D4000  }
0xc0: {  	[dreg:$0xb] =	wrdreg $0x9  }
0xc1: {  	_ =	task.clear_ibuf [dreg:s12], $0xCFFFF;
	_ =	strace $0x90000046  }
0xc2: {  	s29 =	simm.s32 $0x9;
	_ =	strace $0x80000048  }
0xc3: {  	_ =	swait.ge [sflag:s29], $0x1  }
0xc4: {  	[sflag:s29] =	ssyncadd.s32 $0xFFFFFFFF  }
0xc5: {  	_ =	strace $0x90000048  }
0xc6: {  	_ =	sfence  }
0xc7: {  	s30 =	sld [smem:$0x0];
	_ =	sdelay $0x2  }
0xc8: {  	s31 =	sshll.u32 s1, $0xD;
	s1 =	sshrl.u32 s1, $0x2  }
0xc9: {  	s3 =	sand.u32 $0x4000, s31;
	s1 =	sadd.s32 s1, s30  }
0xca: {  	s0 =	sor.u32 s3, s0;
	s1 =	sshll.u32 s1, $0x11  }
0xcb: {  	s0 =	sor.u32 s1, s0  }
0xcc: {  	s0 =	sadd.s32 $0x8F2B, s0  }
0xcd: {  	[sflag:s0] =	ssyncadd.remote.s32 $0x1  }
0xce: {  	_ =	sfence.sel $0xFFFF  }
0xcf: {  	[dreg:$0x0] =	wrdreg $0xFFFFFFFF;
	(pc) =	sbr.abs _section_cstart, $3  }
0xd0: {  	[dreg:$0x1] =	wrdreg $0xFFFFFFFF  }
0xd1: {  	_ =	task.clear_ibuf [dreg:s12], $0x2FFFF;
	_ =	strace $0x9FFFFFFF  }
0xd2: {  	(tm) =	ssettm $0x7FFFFFFF  }
0xd3: {  	_ =	shalt  }
tec
execute0_lowered:
.L_overlay_start_1:
0x0: {  	(tag) =	ssettag $0x1  }
0x1: {  	s0 =	rddreg [dreg:$0x0]  }
0x2: {  	s1 =	rddreg [dreg:$0x1]  }
0x3: {  	s2 =	rddreg [dreg:$0x2]  }
0x4: {  	s5 =	rddreg [dreg:$0x3]  }
0x5: {  	s6 =	rddreg [dreg:$0x4]  }
0x6: {  	s7 =	rddreg [dreg:$0x5]  }
0x7: {  	s8 =	rddreg [dreg:$0x6]  }
0x8: {  	s3 =	rddreg [dreg:$0x7]  }
0x9: {  	s4 =	rddreg [dreg:$0x8]  }
0xa: {  	s17 =	stileid.u32;
	s9 =	srdreg.scid;
	s11 =	simm.s32 $0x0  }
0xb: {  	s28 =	simm.s32 $0x80;
	s29 =	simm.s32 $0x1000;
	s10 =	smul.u32 $0x2780, s17  }
0xc: {  	s30 =	simm.s32 $0x5000;
	s31 =	simm.s32 $0x1;
	s13 =	smul.u32 $0x50, s17  }
0xd: {  	s9 =	sand.u32 $0x1, s9;
	[smem:$0x7FF] =	sst s11;
	s16 =	smul.u32 $0x13C00, s17  }
0xe: {  	s24 =	sshll.u32 s17, $0x6;
	s22 =	smul.u32 $0x500, s9;
	_ =	strace $0x80000047  }
0xf: {  	s12 =	ssub.s32 $0x2, s9;
	s19 =	smul.u32 $0x27800, s9;
	s14 =	sshrl.u32 s10, $0x3  }
0x10: {  	s15 =	sshrl.u32 s12, $0x1;
	s23 =	sshrl.u32 s16, $0x3;
	s25 =	sadd.s32 s16, s3  }
0x11: {  	s26 =	sadd.s32 s10, s4;
	s14 =	sadd.s32 s14, s6;
	s6 =	sadd.s32 $0x800, s6  }
0x12: {  	s11 =	sadd.s32 s13, s22;
	[dreg:$0xb] =	wrdreg s25;
	s13 =	smul.u32 $0x13C000, s9  }
0x13: {  	s5 =	sadd.s32 s5, s23;
	s23 =	sor.u32 $0x1C05, s24;
	s9 =	smul.u32 $0x5000, s9  }
0x14: {  	[dreg:$0xe] =	wrdreg s26;
	s10 =	sadd.s32 s10, s19;
	s26 =	smul.u32 $0x500, s17  }
0x15: {  	s17 =	simm.s32 $0xB00;
	[dreg:$0xa] =	wrdreg s6;
	s6 =	ssub.s32 s12, s15  }
0x16: {  	[dreg:$0xc] =	wrdreg s5;
	s11 =	sshll.u32 s11, $0x4;
	s15 =	sadd.s32 $0xA00, s14  }
0x17: {  	s10 =	sshrl.u32 s10, $0x3;
	s12 =	simm.s32 $0xD00;
	[dreg:$0xd] =	wrdreg s23  }
0x18: {  	s14 =	simm.s32 $0xE80;
	[dreg:$0xf] =	wrdreg s15;
	s18 =	sor.u32 $0x80, s11  }
0x19: {  	s20 =	sadd.s32 s1, s11;
	s5 =	sadd.s32 s2, s11;
	s24 =	sadd.s32 s16, s13  }
0x1a: {  	s25 =	sadd.s32 s8, s10;
	s6 =	smax.u32 s6, $0x1;
	s11 =	simm.s32 $0x800  }
0x1b: {  	s15 =	simm.s32 $0xA80;
	s16 =	simm.s32 $0xD80;
	[dreg:$0x10] =	wrdreg s20  }
0x1c: {  	s10 =	simm.s32 $0xF00;
	s13 =	simm.s32 $0x400;
	[dreg:$0x11] =	wrdreg s5  }
0x1d: {  	s21 =	sadd.s32 s1, s18;
	s22 =	sadd.s32 s2, s18;
	[dreg:$0x15] =	wrdreg s25  }
0x1e: {  	s5 =	sshrl.u32 s24, $0x3;
	[dreg:$0x16] =	wrdreg s6;
	s1 =	sadd.s32 s9, s1  }
0x1f: {  	s2 =	sadd.s32 s9, s2;
	s18 =	simm.s32 $0x4;
	s24 =	simm.s32 $0xB80  }
.Ltmp0:
0x20: {  	s9 =	simm.s32 $0xF80;
	[dreg:$0x12] =	wrdreg s21;
	(pc) =	sbr.rel .LBB2_1-.Ltmp0, $4  }
0x21: {  	s6 =	simm.s32 $0x0;
	[dreg:$0x13] =	wrdreg s22;
	s5 =	sadd.s32 s7, s5  }
0x22: {  	s19 =	sadd.s32 s26, s1;
	s20 =	sadd.s32 s26, s2;
	s21 =	simm.s32 $0x5  }
0x23: {  	s22 =	simm.s32 $0x1CC00;
	s26 =	simm.s32 $0xC00;
	s2 =	simm.s32 $0x2  }
0x24: {  	s7 =	simm.s32 $0xC80;
	s1 =	simm.s32 $0xE00;
	[dreg:$0x14] =	wrdreg s5  }
.LBB2_4:
0x25: {  	[bflag:$0x0] =	sbarrier.arrive $0xFFFF  }
0x26: {  	s23 =	rddreg [dreg:$0xd]  }
0x27: {  	s5 =	rddreg [dreg:$0x14]  }
0x28: {  	s6 =	rddreg [dreg:$0x18]  }
0x29: {  	[hbm:s5], [sflag:s23] =	dma.local [spmem:s6], $0x2780  }
0x2a: {  	_ =	swait.ge [sflag:s21], $0x2780  }
0x2b: {  	[sflag:s21] =	ssyncset.done $0x0;
	s8 =	rddreg [dreg:$0x15]  }
0x2c: {  	s25 =	rddreg [dreg:$0x19];
	[sflag:s21] =	ssyncadd.s32 $0xFFFFD880  }
0x2d: {  	[hbm:s8], [sflag:s23] =	dma.local [spmem:s25], $0x4F0  }
0x2e: {  	_ =	swait.ge [sflag:s21], $0x4F0  }
0x2f: {  	s8 =	rddreg [dreg:$0x17]  }
0x30: {  	s25 =	rddreg [dreg:$0x16];
	s6 =	sadd.s32 $0x1, s8  }
0x31: {  	p0 =	sne.s32 s6, s25  }
.Ltmp1:
0x32: {  	_ = 	snop;
	(pc) =	sbr.rel @!p0 .LBB2_5-.Ltmp1, $3  }
0x33: {  	_ =	sdelay $0x1  }
0x34: {  	[sflag:s21] =	ssyncset.done $0x0  }
0x35: {  	[sflag:s21] =	ssyncadd.s32 $0xFFFFFB10  }
.LBB2_1:
0x36: {  	[dreg:$0x17] =	wrdreg s6  }
0x37: {  	s5 =	rddreg [dreg:$0xb]  }
0x38: {  	s8 =	rddreg [dreg:$0xc];
	s5 =	sshrl.u32 s5, $0x3  }
0x39: {  	[dreg:$0x18] =	wrdreg s5  }
0x3a: {  	[spmem:s5], [sflag:s23] =	dma.local [hbm:s8], $0x2780  }
0x3b: {  	_ =	swait.ge [sflag:s21], $0x2780  }
0x3c: {  	s25 =	rddreg [dreg:$0xe]  }
0x3d: {  	[sflag:s21] =	ssyncset.done $0x0;
	s8 =	rddreg [dreg:$0xf];
	s5 =	sshrl.u32 s25, $0x3  }
0x3e: {  	[sflag:s21] =	ssyncadd.s32 $0xFFFFD880;
	[dreg:$0x19] =	wrdreg s5  }
0x3f: {  	[spmem:s5], [sflag:s23] =	dma.local [hbm:s8], $0x4F0  }
0x40: {  	_ =	swait.ge [sflag:s21], $0x4F0  }
0x41: {  	[sflag:s21] =	ssyncset.done $0x0  }
0x42: {  	s5 =	simm.s32 $0x0;
	s23 =	rddreg [dreg:$0xa];
	[sflag:s21] =	ssyncadd.s32 $0xFFFFFB10  }
0x43: {  	[tilespmem:s22], [sflag:$0x5] =	stream.linear.gather [hbm4b:s23+s5], $0x800, $0x38;
	[tilespmem:$0x1FB80] =	vst v63  }
0x44: {  	_ =	swait.ge [sflag:s21], $0x800  }
0x45: {  	[sflag:s21] =	ssyncset.done $0x0  }
0x46: {  	s25 =	rddreg [dreg:$0x10];
	[sflag:s21] =	ssyncadd.s32 $0xFFFFF800  }
0x47: {  	[tilespmem:s5], [sflag:$0x3] =	stream.linear.gather [hbm4b:s25+s5], $0x400, $0x38;
	[tilespmem:$0x1FB80] =	vst v63  }
0x48: {  	s8 =	rddreg [dreg:$0x11]  }
0x49: {  	[tilespmem:s11], [sflag:$0x3] =	stream.linear.gather [hbm4b:s8+s5], $0x400, $0x38;
	[tilespmem:$0x1FB80] =	vst v63  }
0x4a: {  	s11 =	simm.s32 $0x3  }
0x4b: {  	_ =	swait.ge [sflag:s11], $0x400  }
0x4c: {  	[sflag:s11] =	ssyncset.done $0x0  }
0x4d: {  	[sflag:s11] =	ssyncadd.s32 $0xFFFFFC00  }
0x4e: {  	_ =	swait.ge [sflag:s11], $0x400  }
0x4f: {  	[sflag:s11] =	ssyncset.done $0x0  }
0x50: {  	s8 =	simm.s32 $0x400;
	s23 =	rddreg [dreg:$0x12];
	[sflag:s11] =	ssyncadd.s32 $0xFFFFFC00  }
0x51: {  	[tilespmem:s8], [sflag:$0x4] =	stream.linear.gather [hbm4b:s23+s5], $0x400, $0x38;
	[tilespmem:$0x1FB80] =	vst v63  }
0x52: {  	s25 =	rddreg [dreg:$0x13]  }
0x53: {  	[tilespmem:s26], [sflag:$0x4] =	stream.linear.gather [hbm4b:s25+s5], $0x400, $0x38;
	[tilespmem:$0x1FB80] =	vst v63  }
0x54: {  	[bflag:$0x0] =	sbarrier.arrive $0xFFFF  }
0x55: {  	[tilespmem:s29], [sflag:$0x1] =	stream.indirect.gather [hbm4b:s0+s28], $0x80, s5, s28, $0xb8;
	[tilespmem:$0x1FB80] =	vst v63  }
0x56: {  	s25 =	simm.s32 $0x0;
	s5 =	simm.s32 $0x0  }
.LBB2_2:
0x57: {  	[tilespmem:s30], [sflag:$0x2] =	stream.indirect.gather [hbm4b:s0+s28], $0x80, s28, s28, $0xb8;
	[tilespmem:$0x1FB80] =	vst v63  }
0x58: {  	_ =	swait.ge [sflag:s31], $0x4000  }
0x59: {  	[sflag:s31] =	ssyncset.done $0x0  }
0x5a: {  	s6 =	simm.s32 $0x800;
	[sflag:s31] =	ssyncadd.s32 $0xFFFFC000  }
0x5b: {  	[spmem:s3] =	stream.indirect.scatter.add.f32 [tilespmem:s29], [sflag:$0x5], $0x80, s6, s28, $0xb8;
	[tilespmem:$0x1FB80] =	vst v63  }
0x5c: {  	_ =	swait.ge [sflag:s21], $0x4000  }
0x5d: {  	[sflag:s21] =	ssyncset.done $0x0  }
0x5e: {  	[sflag:s21] =	ssyncadd.s32 $0xFFFFC000  }
0x5f: {  	[spmem:s4] =	stream.indirect.scatter.add.f32 [tilespmem:s22], [sflag:$0x5], $0x10, s6, s28, $0xb8;
	[tilespmem:$0x1FB80] =	vst v63  }
0x60: {  	_ =	swait.ge [sflag:s21], $0x800  }
0x61: {  	[sflag:s21] =	ssyncset.done $0x0  }
0x62: {  	s23 =	simm.s32 $0x100;
	[sflag:s21] =	ssyncadd.s32 $0xFFFFF800  }
0x63: {  	[tilespmem:s29], [sflag:$0x1] =	stream.indirect.gather [hbm4b:s0+s28], $0x80, s23, s28, $0xb8;
	[tilespmem:$0x1FB80] =	vst v63  }
0x64: {  	_ =	swait.ge [sflag:s2], $0x4000  }
0x65: {  	[sflag:s2] =	ssyncset.done $0x0  }
0x66: {  	s23 =	simm.s32 $0x880;
	[sflag:s2] =	ssyncadd.s32 $0xFFFFC000  }
0x67: {  	[spmem:s3] =	stream.indirect.scatter.add.f32 [tilespmem:s30], [sflag:$0x5], $0x80, s23, s28, $0xb8;
	[tilespmem:$0x1FB80] =	vst v63  }
0x68: {  	_ =	swait.ge [sflag:s21], $0x4000  }
0x69: {  	[sflag:s21] =	ssyncset.done $0x0  }
0x6a: {  	[sflag:s21] =	ssyncadd.s32 $0xFFFFC000  }
0x6b: {  	[spmem:s4] =	stream.indirect.scatter.add.f32 [tilespmem:s22], [sflag:$0x5], $0x10, s23, s28, $0xb8;
	[tilespmem:$0x1FB80] =	vst v63  }
0x6c: {  	_ =	swait.ge [sflag:s21], $0x800  }
0x6d: {  	[sflag:s21] =	ssyncset.done $0x0  }
0x6e: {  	s23 =	simm.s32 $0x180;
	[sflag:s21] =	ssyncadd.s32 $0xFFFFF800  }
0x6f: {  	[tilespmem:s30], [sflag:$0x2] =	stream.indirect.gather [hbm4b:s0+s28], $0x80, s23, s28, $0xb8;
	[tilespmem:$0x1FB80] =	vst v63  }
0x70: {  	_ =	swait.ge [sflag:s31], $0x4000  }
0x71: {  	[sflag:s31] =	ssyncset.done $0x0  }
0x72: {  	s23 =	simm.s32 $0x900;
	[sflag:s31] =	ssyncadd.s32 $0xFFFFC000  }
0x73: {  	[spmem:s3] =	stream.indirect.scatter.add.f32 [tilespmem:s29], [sflag:$0x5], $0x80, s23, s28, $0xb8;
	[tilespmem:$0x1FB80] =	vst v63  }
0x74: {  	_ =	swait.ge [sflag:s21], $0x4000  }
0x75: {  	[sflag:s21] =	ssyncset.done $0x0  }
0x76: {  	[sflag:s21] =	ssyncadd.s32 $0xFFFFC000  }
0x77: {  	[spmem:s4] =	stream.indirect.scatter.add.f32 [tilespmem:s22], [sflag:$0x5], $0x10, s23, s28, $0xb8;
	[tilespmem:$0x1FB80] =	vst v63  }
0x78: {  	_ =	swait.ge [sflag:s21], $0x800  }
0x79: {  	[sflag:s21] =	ssyncset.done $0x0  }
0x7a: {  	s23 =	simm.s32 $0x200;
	[sflag:s21] =	ssyncadd.s32 $0xFFFFF800  }
0x7b: {  	[tilespmem:s29], [sflag:$0x1] =	stream.indirect.gather [hbm4b:s0+s28], $0x80, s23, s28, $0xb8;
	[tilespmem:$0x1FB80] =	vst v63  }
0x7c: {  	_ =	swait.ge [sflag:s2], $0x4000  }
0x7d: {  	[sflag:s2] =	ssyncset.done $0x0  }
0x7e: {  	s23 =	simm.s32 $0x980;
	[sflag:s2] =	ssyncadd.s32 $0xFFFFC000  }
0x7f: {  	[spmem:s3] =	stream.indirect.scatter.add.f32 [tilespmem:s30], [sflag:$0x5], $0x80, s23, s28, $0xb8;
	[tilespmem:$0x1FB80] =	vst v63  }
0x80: {  	_ =	swait.ge [sflag:s21], $0x4000  }
0x81: {  	[sflag:s21] =	ssyncset.done $0x0  }
0x82: {  	[sflag:s21] =	ssyncadd.s32 $0xFFFFC000  }
0x83: {  	[spmem:s4] =	stream.indirect.scatter.add.f32 [tilespmem:s22], [sflag:$0x5], $0x10, s23, s28, $0xb8;
	[tilespmem:$0x1FB80] =	vst v63  }
0x84: {  	_ =	swait.ge [sflag:s21], $0x800  }
0x85: {  	[sflag:s21] =	ssyncset.done $0x0  }
0x86: {  	s23 =	simm.s32 $0x280;
	[sflag:s21] =	ssyncadd.s32 $0xFFFFF800  }
0x87: {  	[tilespmem:s30], [sflag:$0x2] =	stream.indirect.gather [hbm4b:s0+s28], $0x80, s23, s28, $0xb8;
	[tilespmem:$0x1FB80] =	vst v63  }
0x88: {  	_ =	swait.ge [sflag:s31], $0x4000  }
0x89: {  	[sflag:s31] =	ssyncset.done $0x0  }
0x8a: {  	s23 =	simm.s32 $0xA00;
	[sflag:s31] =	ssyncadd.s32 $0xFFFFC000  }
0x8b: {  	[spmem:s3] =	stream.indirect.scatter.add.f32 [tilespmem:s29], [sflag:$0x5], $0x80, s23, s28, $0xb8;
	[tilespmem:$0x1FB80] =	vst v63  }
0x8c: {  	_ =	swait.ge [sflag:s21], $0x4000  }
0x8d: {  	[sflag:s21] =	ssyncset.done $0x0  }
0x8e: {  	[sflag:s21] =	ssyncadd.s32 $0xFFFFC000  }
0x8f: {  	[spmem:s4] =	stream.indirect.scatter.add.f32 [tilespmem:s22], [sflag:$0x5], $0x10, s23, s28, $0xb8;
	[tilespmem:$0x1FB80] =	vst v63  }
0x90: {  	_ =	swait.ge [sflag:s21], $0x800  }
0x91: {  	[sflag:s21] =	ssyncset.done $0x0  }
0x92: {  	s23 =	simm.s32 $0x300;
	[sflag:s21] =	ssyncadd.s32 $0xFFFFF800  }
0x93: {  	[tilespmem:s29], [sflag:$0x1] =	stream.indirect.gather [hbm4b:s0+s28], $0x80, s23, s28, $0xb8;
	[tilespmem:$0x1FB80] =	vst v63  }
0x94: {  	_ =	swait.ge [sflag:s2], $0x4000  }
0x95: {  	[sflag:s2] =	ssyncset.done $0x0  }
0x96: {  	[sflag:s2] =	ssyncadd.s32 $0xFFFFC000  }
0x97: {  	[spmem:s3] =	stream.indirect.scatter.add.f32 [tilespmem:s30], [sflag:$0x5], $0x80, s15, s28, $0xb8;
	[tilespmem:$0x1FB80] =	vst v63  }
0x98: {  	_ =	swait.ge [sflag:s21], $0x4000  }
0x99: {  	[sflag:s21] =	ssyncset.done $0x0  }
0x9a: {  	[sflag:s21] =	ssyncadd.s32 $0xFFFFC000  }
0x9b: {  	[spmem:s4] =	stream.indirect.scatter.add.f32 [tilespmem:s22], [sflag:$0x5], $0x10, s15, s28, $0xb8;
	[tilespmem:$0x1FB80] =	vst v63  }
0x9c: {  	_ =	swait.ge [sflag:s21], $0x800  }
0x9d: {  	[sflag:s21] =	ssyncset.done $0x0  }
0x9e: {  	s23 =	simm.s32 $0x380;
	[sflag:s21] =	ssyncadd.s32 $0xFFFFF800  }
0x9f: {  	[tilespmem:s30], [sflag:$0x2] =	stream.indirect.gather [hbm4b:s0+s28], $0x80, s23, s28, $0xb8;
	[tilespmem:$0x1FB80] =	vst v63  }
0xa0: {  	_ =	swait.ge [sflag:s31], $0x4000  }
0xa1: {  	[sflag:s31] =	ssyncset.done $0x0  }
0xa2: {  	[sflag:s31] =	ssyncadd.s32 $0xFFFFC000  }
0xa3: {  	[spmem:s3] =	stream.indirect.scatter.add.f32 [tilespmem:s29], [sflag:$0x5], $0x80, s17, s28, $0xb8;
	[tilespmem:$0x1FB80] =	vst v63  }
0xa4: {  	_ =	swait.ge [sflag:s21], $0x4000  }
0xa5: {  	[sflag:s21] =	ssyncset.done $0x0  }
0xa6: {  	[sflag:s21] =	ssyncadd.s32 $0xFFFFC000  }
0xa7: {  	[spmem:s4] =	stream.indirect.scatter.add.f32 [tilespmem:s22], [sflag:$0x5], $0x10, s17, s28, $0xb8;
	[tilespmem:$0x1FB80] =	vst v63  }
0xa8: {  	_ =	swait.ge [sflag:s21], $0x800  }
0xa9: {  	[sflag:s21] =	ssyncset.done $0x0  }
0xaa: {  	[sflag:s21] =	ssyncadd.s32 $0xFFFFF800  }
0xab: {  	_ =	swait.ge [sflag:s18], $0x400  }
0xac: {  	[sflag:s18] =	ssyncset.done $0x0  }
0xad: {  	[sflag:s18] =	ssyncadd.s32 $0xFFFFFC00  }
0xae: {  	_ =	swait.ge [sflag:s18], $0x400  }
0xaf: {  	[sflag:s18] =	ssyncset.done $0x0  }
0xb0: {  	[sflag:s18] =	ssyncadd.s32 $0xFFFFFC00  }
0xb1: {  	[tilespmem:s29], [sflag:$0x1] =	stream.indirect.gather [hbm4b:s0+s28], $0x80, s8, s28, $0xb8;
	[tilespmem:$0x1FB80] =	vst v63  }
0xb2: {  	_ =	swait.ge [sflag:s2], $0x4000  }
0xb3: {  	[sflag:s2] =	ssyncset.done $0x0  }
0xb4: {  	[sflag:s2] =	ssyncadd.s32 $0xFFFFC000  }
0xb5: {  	[spmem:s3] =	stream.indirect.scatter.add.f32 [tilespmem:s30], [sflag:$0x5], $0x80, s24, s28, $0xb8;
	[tilespmem:$0x1FB80] =	vst v63  }
0xb6: {  	_ =	swait.ge [sflag:s21], $0x4000  }
0xb7: {  	[sflag:s21] =	ssyncset.done $0x0  }
0xb8: {  	[sflag:s21] =	ssyncadd.s32 $0xFFFFC000  }
0xb9: {  	[spmem:s4] =	stream.indirect.scatter.add.f32 [tilespmem:s22], [sflag:$0x5], $0x10, s24, s28, $0xb8;
	[tilespmem:$0x1FB80] =	vst v63  }
0xba: {  	p0 =	seq.s32 s5, $0x400;
	_ =	swait.ge [sflag:s21], $0x800  }
0xbb: {  	s23 =	sadd.s32 @!p0 s5, s19;
	[sflag:s21] =	ssyncset.done $0x0  }
0xbc: {  	s6 =	simm.s32 @!p0 $0x0;
	s23 =	sadd.s32 @!p0 $0x100, s23;
	[sflag:s21] =	ssyncadd.s32 $0xFFFFF800  }
0xbd: {  	[tilespmem:s6], [sflag:$0x3] =	stream.linear.gather @!p0 [hbm4b:s23+s6], $0x400, $0x38;
	[tilespmem:$0x1FB80] =	vst v63  }
0xbe: {  	s23 =	sadd.s32 @!p0 s5, s20  }
0xbf: {  	s8 =	simm.s32 @!p0 $0x800;
	s23 =	sadd.s32 @!p0 $0x100, s23  }
0xc0: {  	[tilespmem:s8], [sflag:$0x3] =	stream.linear.gather @!p0 [hbm4b:s23+s6], $0x400, $0x38;
	[tilespmem:$0x1FB80] =	vst v63  }
0xc1: {  	s23 =	simm.s32 $0x480  }
0xc2: {  	[tilespmem:s30], [sflag:$0x2] =	stream.indirect.gather [hbm4b:s0+s28], $0x80, s23, s28, $0xb8;
	[tilespmem:$0x1FB80] =	vst v63  }
0xc3: {  	_ =	swait.ge [sflag:s31], $0x4000  }
0xc4: {  	[sflag:s31] =	ssyncset.done $0x0  }
0xc5: {  	[sflag:s31] =	ssyncadd.s32 $0xFFFFC000  }
0xc6: {  	[spmem:s3] =	stream.indirect.scatter.add.f32 [tilespmem:s29], [sflag:$0x5], $0x80, s26, s28, $0xb8;
	[tilespmem:$0x1FB80] =	vst v63  }
0xc7: {  	_ =	swait.ge [sflag:s21], $0x4000  }
0xc8: {  	[sflag:s21] =	ssyncset.done $0x0  }
0xc9: {  	[sflag:s21] =	ssyncadd.s32 $0xFFFFC000  }
0xca: {  	[spmem:s4] =	stream.indirect.scatter.add.f32 [tilespmem:s22], [sflag:$0x5], $0x10, s26, s28, $0xb8;
	[tilespmem:$0x1FB80] =	vst v63  }
0xcb: {  	_ =	swait.ge [sflag:s21], $0x800  }
0xcc: {  	[sflag:s21] =	ssyncset.done $0x0  }
0xcd: {  	s8 =	simm.s32 $0x500;
	[sflag:s21] =	ssyncadd.s32 $0xFFFFF800  }
0xce: {  	[tilespmem:s29], [sflag:$0x1] =	stream.indirect.gather [hbm4b:s0+s28], $0x80, s8, s28, $0xb8;
	[tilespmem:$0x1FB80] =	vst v63  }
0xcf: {  	_ =	swait.ge [sflag:s2], $0x4000  }
0xd0: {  	[sflag:s2] =	ssyncset.done $0x0  }
0xd1: {  	[sflag:s2] =	ssyncadd.s32 $0xFFFFC000  }
0xd2: {  	[spmem:s3] =	stream.indirect.scatter.add.f32 [tilespmem:s30], [sflag:$0x5], $0x80, s7, s28, $0xb8;
	[tilespmem:$0x1FB80] =	vst v63  }
0xd3: {  	_ =	swait.ge [sflag:s21], $0x4000  }
0xd4: {  	[sflag:s21] =	ssyncset.done $0x0  }
0xd5: {  	[sflag:s21] =	ssyncadd.s32 $0xFFFFC000  }
0xd6: {  	[spmem:s4] =	stream.indirect.scatter.add.f32 [tilespmem:s22], [sflag:$0x5], $0x10, s7, s28, $0xb8;
	[tilespmem:$0x1FB80] =	vst v63  }
0xd7: {  	_ =	swait.ge [sflag:s21], $0x800  }
0xd8: {  	[sflag:s21] =	ssyncset.done $0x0  }
0xd9: {  	s23 =	simm.s32 $0x580;
	[sflag:s21] =	ssyncadd.s32 $0xFFFFF800  }
0xda: {  	[tilespmem:s30], [sflag:$0x2] =	stream.indirect.gather [hbm4b:s0+s28], $0x80, s23, s28, $0xb8;
	[tilespmem:$0x1FB80] =	vst v63  }
0xdb: {  	_ =	swait.ge [sflag:s31], $0x4000  }
0xdc: {  	[sflag:s31] =	ssyncset.done $0x0  }
0xdd: {  	[sflag:s31] =	ssyncadd.s32 $0xFFFFC000  }
0xde: {  	[spmem:s3] =	stream.indirect.scatter.add.f32 [tilespmem:s29], [sflag:$0x5], $0x80, s12, s28, $0xb8;
	[tilespmem:$0x1FB80] =	vst v63  }
0xdf: {  	_ =	swait.ge [sflag:s21], $0x4000  }
0xe0: {  	[sflag:s21] =	ssyncset.done $0x0  }
0xe1: {  	[sflag:s21] =	ssyncadd.s32 $0xFFFFC000  }
0xe2: {  	[spmem:s4] =	stream.indirect.scatter.add.f32 [tilespmem:s22], [sflag:$0x5], $0x10, s12, s28, $0xb8;
	[tilespmem:$0x1FB80] =	vst v63  }
0xe3: {  	_ =	swait.ge [sflag:s21], $0x800  }
0xe4: {  	[sflag:s21] =	ssyncset.done $0x0  }
0xe5: {  	s8 =	simm.s32 $0x600;
	[sflag:s21] =	ssyncadd.s32 $0xFFFFF800  }
0xe6: {  	[tilespmem:s29], [sflag:$0x1] =	stream.indirect.gather [hbm4b:s0+s28], $0x80, s8, s28, $0xb8;
	[tilespmem:$0x1FB80] =	vst v63  }
0xe7: {  	_ =	swait.ge [sflag:s2], $0x4000  }
0xe8: {  	[sflag:s2] =	ssyncset.done $0x0  }
0xe9: {  	[sflag:s2] =	ssyncadd.s32 $0xFFFFC000  }
0xea: {  	[spmem:s3] =	stream.indirect.scatter.add.f32 [tilespmem:s30], [sflag:$0x5], $0x80, s16, s28, $0xb8;
	[tilespmem:$0x1FB80] =	vst v63  }
0xeb: {  	_ =	swait.ge [sflag:s21], $0x4000  }
0xec: {  	[sflag:s21] =	ssyncset.done $0x0  }
0xed: {  	[sflag:s21] =	ssyncadd.s32 $0xFFFFC000  }
0xee: {  	[spmem:s4] =	stream.indirect.scatter.add.f32 [tilespmem:s22], [sflag:$0x5], $0x10, s16, s28, $0xb8;
	[tilespmem:$0x1FB80] =	vst v63  }
0xef: {  	_ =	swait.ge [sflag:s21], $0x800  }
0xf0: {  	[sflag:s21] =	ssyncset.done $0x0  }
0xf1: {  	s23 =	simm.s32 $0x680;
	[sflag:s21] =	ssyncadd.s32 $0xFFFFF800  }
0xf2: {  	[tilespmem:s30], [sflag:$0x2] =	stream.indirect.gather [hbm4b:s0+s28], $0x80, s23, s28, $0xb8;
	[tilespmem:$0x1FB80] =	vst v63  }
0xf3: {  	_ =	swait.ge [sflag:s31], $0x4000  }
0xf4: {  	[sflag:s31] =	ssyncset.done $0x0  }
0xf5: {  	[sflag:s31] =	ssyncadd.s32 $0xFFFFC000  }
0xf6: {  	[spmem:s3] =	stream.indirect.scatter.add.f32 [tilespmem:s29], [sflag:$0x5], $0x80, s1, s28, $0xb8;
	[tilespmem:$0x1FB80] =	vst v63  }
0xf7: {  	_ =	swait.ge [sflag:s21], $0x4000  }
0xf8: {  	[sflag:s21] =	ssyncset.done $0x0  }
0xf9: {  	[sflag:s21] =	ssyncadd.s32 $0xFFFFC000  }
0xfa: {  	[spmem:s4] =	stream.indirect.scatter.add.f32 [tilespmem:s22], [sflag:$0x5], $0x10, s1, s28, $0xb8;
	[tilespmem:$0x1FB80] =	vst v63  }
0xfb: {  	_ =	swait.ge [sflag:s21], $0x800  }
0xfc: {  	[sflag:s21] =	ssyncset.done $0x0  }
0xfd: {  	s8 =	simm.s32 $0x700;
	[sflag:s21] =	ssyncadd.s32 $0xFFFFF800  }
0xfe: {  	[tilespmem:s29], [sflag:$0x1] =	stream.indirect.gather [hbm4b:s0+s28], $0x80, s8, s28, $0xb8;
	[tilespmem:$0x1FB80] =	vst v63  }
0xff: {  	_ =	swait.ge [sflag:s2], $0x4000  }
0x100: {  	[sflag:s2] =	ssyncset.done $0x0  }
0x101: {  	[sflag:s2] =	ssyncadd.s32 $0xFFFFC000  }
0x102: {  	[spmem:s3] =	stream.indirect.scatter.add.f32 [tilespmem:s30], [sflag:$0x5], $0x80, s14, s28, $0xb8;
	[tilespmem:$0x1FB80] =	vst v63  }
0x103: {  	_ =	swait.ge [sflag:s21], $0x4000  }
0x104: {  	[sflag:s21] =	ssyncset.done $0x0  }
0x105: {  	[sflag:s21] =	ssyncadd.s32 $0xFFFFC000  }
0x106: {  	[spmem:s4] =	stream.indirect.scatter.add.f32 [tilespmem:s22], [sflag:$0x5], $0x10, s14, s28, $0xb8;
	[tilespmem:$0x1FB80] =	vst v63  }
0x107: {  	_ =	swait.ge [sflag:s21], $0x800  }
0x108: {  	[sflag:s21] =	ssyncset.done $0x0  }
0x109: {  	s23 =	simm.s32 $0x780;
	[sflag:s21] =	ssyncadd.s32 $0xFFFFF800  }
0x10a: {  	[tilespmem:s30], [sflag:$0x2] =	stream.indirect.gather [hbm4b:s0+s28], $0x80, s23, s28, $0xb8;
	[tilespmem:$0x1FB80] =	vst v63  }
0x10b: {  	_ =	swait.ge [sflag:s31], $0x4000  }
0x10c: {  	[sflag:s31] =	ssyncset.done $0x0  }
0x10d: {  	[sflag:s31] =	ssyncadd.s32 $0xFFFFC000  }
0x10e: {  	[spmem:s3] =	stream.indirect.scatter.add.f32 [tilespmem:s29], [sflag:$0x5], $0x80, s10, s28, $0xb8;
	[tilespmem:$0x1FB80] =	vst v63  }
0x10f: {  	_ =	swait.ge [sflag:s21], $0x4000  }
0x110: {  	[sflag:s21] =	ssyncset.done $0x0  }
0x111: {  	[sflag:s21] =	ssyncadd.s32 $0xFFFFC000  }
0x112: {  	[spmem:s4] =	stream.indirect.scatter.add.f32 [tilespmem:s22], [sflag:$0x5], $0x10, s10, s28, $0xb8;
	[tilespmem:$0x1FB80] =	vst v63  }
0x113: {  	_ =	swait.ge [sflag:s21], $0x800  }
0x114: {  	p1 =	sgt.u32 s25, $0x3;
	[sflag:s21] =	ssyncset.done $0x0  }
0x115: {  	s6 =	simm.s32 @!p1 $0x3;
	[sflag:s21] =	ssyncadd.s32 $0xFFFFF800  }
0x116: {  	_ =	swait.ge @!p1 [sflag:s6], $0x400  }
0x117: {  	[sflag:s6] =	ssyncset.done @!p1 $0x0  }
0x118: {  	[sflag:s6] =	ssyncadd.s32 @!p1 $0xFFFFFC00  }
0x119: {  	_ =	swait.ge @!p1 [sflag:s6], $0x400  }
0x11a: {  	s8 =	simm.s32 @!p1 $0x0;
	[sflag:s6] =	ssyncset.done @!p1 $0x0  }
0x11b: {  	s23 =	simm.s32 @!p1 $0x1000;
	[sflag:s6] =	ssyncadd.s32 @!p1 $0xFFFFFC00;
	s6 =	simm.s32 @!p1 $0x80  }
0x11c: {  	[tilespmem:s23], [sflag:$0x1] =	stream.indirect.gather @!p1 [hbm4b:s0+s6], $0x80, s8, s6, $0xb8;
	[tilespmem:$0x1FB80] =	vst v63  }
0x11d: {  	_ =	swait.ge [sflag:s2], $0x4000  }
0x11e: {  	[sflag:s2] =	ssyncset.done $0x0  }
0x11f: {  	[sflag:s2] =	ssyncadd.s32 $0xFFFFC000  }
0x120: {  	[spmem:s3] =	stream.indirect.scatter.add.f32 [tilespmem:s30], [sflag:$0x5], $0x80, s9, s28, $0xb8;
	[tilespmem:$0x1FB80] =	vst v63  }
0x121: {  	_ =	swait.ge [sflag:s21], $0x4000  }
0x122: {  	[sflag:s21] =	ssyncset.done $0x0  }
.Ltmp2:
0x123: {  	[sflag:s21] =	ssyncadd.s32 $0xFFFFC000;
	(pc) =	sbr.rel @p0 .LBB2_4-.Ltmp2, $4  }
0x124: {  	[spmem:s4] =	stream.indirect.scatter.add.f32 [tilespmem:s22], [sflag:$0x5], $0x10, s9, s28, $0xb8;
	[tilespmem:$0x1FB80] =	vst v63  }
0x125: {  	_ =	swait.ge [sflag:s21], $0x800  }
0x126: {  	[sflag:s21] =	ssyncset.done $0x0  }
0x127: {  	s11 =	simm.s32 $0x800;
	[sflag:s21] =	ssyncadd.s32 $0xFFFFF800  }
0x128: {  	s6 =	sadd.s32 s5, s19;
	s8 =	simm.s32 $0x0  }
.Ltmp3:
0x129: {  	s23 =	sadd.s32 s5, s20;
	s6 =	sadd.s32 $0x180, s6;
	(pc) =	sbr.rel .LBB2_2-.Ltmp3, $4  }
0x12a: {  	[tilespmem:s13], [sflag:$0x4] =	stream.linear.gather [hbm4b:s6+s8], $0x400, $0x38;
	[tilespmem:$0x1FB80] =	vst v63  }
0x12b: {  	s6 =	sadd.s32 $0x180, s23  }
0x12c: {  	[tilespmem:s26], [sflag:$0x4] =	stream.linear.gather [hbm4b:s6+s8], $0x400, $0x38;
	[tilespmem:$0x1FB80] =	vst v63  }
0x12d: {  	s25 =	sadd.s32 $0x1, s25;
	s5 =	sadd.s32 $0x100, s5;
	s8 =	simm.s32 $0x400  }
.LBB2_5:
0x12e: {  	_ =	sfence.sel $0x180000  }
0x12f: {  	[bflag:$0x0] =	sbarrier.arrive $0xFFFF  }
0x130: {  	_ =	strace $0x90000047  }
0x131: {  	s0 =	stileid.u32;
	[bflag:$0x2] =	sbarrier.arrive $0xFFFF  }
0x132: {  	p0 =	sne.s32 s0, $0x0;
	s0 =	rddreg [dreg:$0x9]  }
0x133: {  	s0 =	sadd.s32 @!p0 $0x100000, s0  }
0x134: {  	[sflag:s0] =	ssyncadd.tile.s32 @!p0 $0x1;
	_ =	shalt  }
.Lfunc_end2:
_tile_overlayer_lowered:
.L_overlay_start_2:
0x135: {  	(tag) =	ssettag $0x2  }
0x136: {  	s0 =	rddreg [dreg:$0x0];
	s2 =	stileid.u32  }
0x137: {  	s1 =	rddreg [dreg:$0x1];
	p0 =	sne.s32 s2, $0x0  }
0x138: {  	s3 =	rddreg [dreg:$0x2];
	[bflag:$0x3] =	sbarrier.arrive $0xFFFF;
	s2 =	simm.s32 @!p0 $0x1C05  }
0x139: {  	[timem:s3], [sflag:s2] =	dma.local @!p0 [hbm:s0], s1  }
0x13a: {  	s0 =	simm.s32 @!p0 $0x5  }
0x13b: {  	_ =	swait.ge @!p0 [sflag:s0], s1  }
0x13c: {  	s1 =	ssub.s32 @!p0 $0x0, s1;
	[sflag:s0] =	ssyncset.done @!p0 $0x0  }
0x13d: {  	[sflag:s0] =	ssyncadd.s32 @!p0 s1  }
0x13e: {  	[bflag:$0x3] =	sbarrier.arrive $0xFFFF  }
0x13f: {  	_ =	shalt  }

</sc_bundles>
